<compile_context>
chip_gen: v7x
topology: tpu7x:2x2x1
jax: 0.10.2.dev20260603
libtpu: 0.0.44.dev20260713+nightly
codegen_flags: <defaults>
</compile_context>

<pallas_src>
import functools

import jax
import jax.numpy as jnp
from jax import lax
from jax.experimental import pallas as pl
from jax.experimental.pallas import tpu as pltpu
from jax.experimental.pallas import tpu_sc as plsc

_N = 320000
_D = 128
_B = 10000
_BN = 12800

_NW = 32
_BPW = 320
_BPAD = _NW * _BPW
_WS = 16384
_VPW = _WS // 16
_SSTRIDE = 2560
_NSAMP = _N // _SSTRIDE


def _matvec_body(x_ref, w_ref, b_ref, o_ref):
    i = pl.program_id(0)
    prod = lax.dot_general(
        w_ref[...].astype(jnp.bfloat16), x_ref[...].astype(jnp.bfloat16),
        (((1,), (1,)), ((), ())), preferred_element_type=jnp.float32)
    o_ref[pl.ds(pl.multiple_of(i * _BN, 128), _BN)] = prod[0] + b_ref[0, 0]


def _matvec(z_ins, W, b):
    n = z_ins.shape[0]
    grid = n // _BN
    return pl.pallas_call(
        _matvec_body,
        grid=(grid,),
        in_specs=[
            pl.BlockSpec((_BN, _D), lambda i: (i, 0)),
            pl.BlockSpec((1, _D), lambda i: (0, 0)),
            pl.BlockSpec((1, 1), lambda i: (0, 0)),
        ],
        out_specs=pl.BlockSpec((n,), lambda i: (0,)),
        out_shape=jax.ShapeDtypeStruct((n,), jnp.float32),
    )(z_ins, W, b.reshape(1, 1))


@functools.partial(
    pl.kernel,
    out_type=[
        jax.ShapeDtypeStruct((_B,), jnp.float32),
        jax.ShapeDtypeStruct((_B, _D), jnp.float32),
        jax.ShapeDtypeStruct((_B, _D), jnp.float32),
        jax.ShapeDtypeStruct((_B, _D), jnp.float32),
        jax.ShapeDtypeStruct((_B, _D), jnp.float32),
    ],
    mesh=plsc.VectorSubcoreMesh(core_axis_name="c", subcore_axis_name="s"),
    compiler_params=pltpu.CompilerParams(needs_layout_passes=False),
    scratch_types=[
        pltpu.VMEM((128,), jnp.int32),
        pltpu.VMEM((128,), jnp.int32),
        pltpu.VMEM((_SSTRIDE,), jnp.int32),
        pltpu.VMEM((_WS,), jnp.int32),
        pltpu.VMEM((_WS,), jnp.float32),
        pltpu.VMEM((_BPW,), jnp.float32),
        pltpu.VMEM((_BPW,), jnp.int32),
        pltpu.VMEM((_BPW, _D), jnp.float32),
        pltpu.SemaphoreType.DMA,
    ],
)
def _sc_segment(score_hbm, bag_hbm, t0_hbm, t1_hbm, t2_hbm, t3_hbm,
                m_hbm, o0_hbm, o1_hbm, o2_hbm, o3_hbm,
                sidx_v, samp_v, srch_v, bag_w, score_w, m_loc, loc_loc,
                rows_v, sem):
    wid = lax.axis_index("s") * 2 + lax.axis_index("c")
    blo = wid * _BPW
    t_lo = jnp.minimum(blo, _B)
    t_hi = jnp.minimum(blo + _BPW, _B)

    iota = lax.iota(jnp.int32, 16)
    zeros_i = jnp.zeros((16,), jnp.int32)
    ninf = jnp.full((16,), -jnp.inf, jnp.float32)
    imax = jnp.int32(2**31 - 1)
    bigbag = jnp.int32(2**30)

    for k in range(8):
        lane = iota + 16 * k
        sidx_v[pl.ds(16 * k, 16)] = jnp.where(lane < _NSAMP, lane * _SSTRIDE, 0)
    pltpu.async_copy(bag_hbm.at[sidx_v], samp_v, sem).wait()

    def lower_bound(t):
        def cbody(k, c):
            sv = samp_v[pl.ds(16 * k, 16)]
            lane = iota + 16 * k
            return c + plsc.all_reduce_population_count(
                (lane < _NSAMP) & (sv < t))[0]
        c = lax.fori_loop(0, 8, cbody, jnp.int32(0))
        base = _SSTRIDE * jnp.maximum(c - 1, 0)
        pltpu.sync_copy(bag_hbm.at[pl.ds(pl.multiple_of(base, 8), _SSTRIDE)], srch_v)
        def fbody(k, c2):
            sv = srch_v[pl.ds(16 * k, 16)]
            return c2 + plsc.all_reduce_population_count(sv < t)[0]
        c2 = lax.fori_loop(0, _SSTRIDE // 16, fbody, jnp.int32(0))
        return base + c2

    r0 = lower_bound(t_lo)
    r1 = lower_bound(t_hi)

    for k in range(_BPW // 16):
        loc_loc[pl.ds(16 * k, 16)] = zeros_i

    lane0 = iota == 0

    def emit(j, mv, loc):
        jc = jnp.broadcast_to(jnp.minimum(j, _BPW - 1), (16,))
        plsc.store_scatter(m_loc, [jc], jnp.broadcast_to(mv, (16,)), mask=lane0)
        plsc.store_scatter(loc_loc, [jc], jnp.broadcast_to(loc, (16,)),
                           mask=lane0)

    _gdn = lax.GatherDimensionNumbers(
        offset_dims=(), collapsed_slice_dims=(0,), start_index_map=(0,))

    def splat_lane(vec, lane):
        idx = jnp.broadcast_to(lane, (16,)).astype(jnp.int32)[:, None]
        return lax.gather(vec, idx, _gdn, (1,),
                          mode=lax.GatherScatterMode.PROMISE_IN_BOUNDS)

    @pl.when(r1 > r0)
    def _():
        v0 = r0 - (r0 % 16)
        nv = (r1 - v0 + 15) // 16

        def vbody(k, carry):
            b, s_b, j, m, idx, done = carry
            win_base = pl.multiple_of(jnp.minimum(v0 + 16 * (k - k % _VPW), _N - _WS), 16)

            @pl.when(k % _VPW == 0)
            def _():
                pltpu.sync_copy(bag_hbm.at[pl.ds(win_base, _WS)], bag_w)
                pltpu.sync_copy(score_hbm.at[pl.ds(win_base, _WS)], score_w)

            p = v0 + 16 * k
            rel = p - win_base
            g = bag_w[pl.ds(rel, 16)]
            s = score_w[pl.ds(rel, 16)]
            p_lane = p + iota
            g_eff = jnp.where(p_lane >= r1, bigbag, g)
            off0 = jnp.where(k == 0, r0 - v0, jnp.int32(0))

            b, s_b = lax.cond(
                k == 0,
                lambda b, s_b: (splat_lane(g, off0), r0),
                lambda b, s_b: (b, s_b),
                b, s_b)

            def wcond(st):
                off, _b, _sb, _j, _m, _i, dn = st
                return (off < 16) & (dn == 0)

            def wbody(st):
                off, b, s_b, j, m, idx, done = st
                active = (iota >= off) & (g_eff == b)
                cnt = plsc.all_reduce_population_count(active)[0]
                upd = active & (s > m)
                m2 = jnp.where(upd, s, m)
                idx2 = jnp.where(upd, p_lane, idx)
                off2 = off + cnt

                def fin(off2, b, s_b, j, m2, idx2):
                    mv = jnp.max(m2)
                    cand = jnp.where(m2 == mv, idx2, imax)
                    gm = jnp.min(cand)
                    emit(j, mv, gm - s_b)
                    p_next = p + off2
                    done2 = jnp.where(p_next >= r1, jnp.int32(1), jnp.int32(0))
                    b2 = splat_lane(g, jnp.minimum(off2, 15))
                    return (off2, b2, p_next, j + 1, ninf, zeros_i, done2)

                def cont(off2, b, s_b, j, m2, idx2):
                    return (off2, b, s_b, j, m2, idx2, jnp.int32(0))

                return lax.cond(off2 < 16, fin, cont, off2, b, s_b, j, m2, idx2)

            active0 = (iota >= off0) & (g_eff == b)
            cnt0 = plsc.all_reduce_population_count(active0)[0]

            def fast(b, s_b, j, m, idx, done):
                upd = s > m
                return (b, s_b, j, jnp.where(upd, s, m),
                        jnp.where(upd, p_lane, idx), done)

            def slow(b, s_b, j, m, idx, done):
                st = lax.while_loop(wcond, wbody,
                                    (off0, b, s_b, j, m, idx, done))
                return st[1:]

            return lax.cond(cnt0 == 16, fast, slow, b, s_b, j, m, idx, done)

        init = (zeros_i, jnp.int32(0), jnp.int32(0), ninf, zeros_i,
                jnp.int32(0))
        b, s_b, j, m, idx, done = lax.fori_loop(0, nv, vbody, init)

        @pl.when(done == 0)
        def _():
            mv = jnp.max(m)
            cand = jnp.where(m == mv, idx, imax)
            gm = jnp.min(cand)
            emit(j, mv, gm - s_b)

    tails = _B - 31 * _BPW

    @pl.when(wid < _NW - 1)
    def _():
        pltpu.sync_copy(m_loc, m_hbm.at[pl.ds(pl.multiple_of(blo, 8), _BPW)])
        for tbl, out in ((t0_hbm, o0_hbm), (t1_hbm, o1_hbm),
                         (t2_hbm, o2_hbm), (t3_hbm, o3_hbm)):
            copies = [
                pltpu.async_copy(tbl.at[loc_loc.at[pl.ds(c0, csz)]],
                                 rows_v.at[pl.ds(c0, csz)], sem)
                for c0, csz in ((0, 128), (128, 128), (256, 64))]
            for c in copies:
                c.wait()
            pltpu.sync_copy(rows_v,
                            out.at[pl.ds(pl.multiple_of(blo, 8), _BPW)])

    @pl.when(wid == _NW - 1)
    def _():
        base = jnp.int32(_B - tails)
        pltpu.sync_copy(m_loc.at[pl.ds(0, tails)],
                        m_hbm.at[pl.ds(pl.multiple_of(base, 8), tails)])
        for tbl, out in ((t0_hbm, o0_hbm), (t1_hbm, o1_hbm),
                         (t2_hbm, o2_hbm), (t3_hbm, o3_hbm)):
            pltpu.async_copy(tbl.at[loc_loc.at[pl.ds(0, tails)]],
                             rows_v.at[pl.ds(0, tails)], sem).wait()
            pltpu.sync_copy(rows_v.at[pl.ds(0, tails)],
                            out.at[pl.ds(pl.multiple_of(base, 8), tails)])


def kernel(z_ins, bag_idx, bag_instances, instance_mu, instance_std, W, b):
    score = _matvec(z_ins, W, b)
    m_out, o_z, o_inst, o_mu, o_std = _sc_segment(
        score, bag_idx, z_ins, bag_instances, instance_mu, instance_std)
    return (m_out[:, None], o_inst, o_z, score[:, None], o_mu, o_std)

# --- scband reference (transcript-rebuilt; emitter-appended) ---
"""Pipeline reference for scband-auxiliary-y-fixed-9947144257678 (READ-ONLY COPY).

The authoritative reference and input builder live on the scoring server;
editing this copy changes nothing except your own understanding.
"""

import jax, jax.numpy as jnp
import numpy as np


def setup_inputs(seed: int = 0) -> dict:
    key = jax.random.key(seed)
    ks = jax.random.split(key, 8)
    N, D, B = 320000, 128, 10000
    z_ins = jax.random.normal(ks[0], (N, D), dtype=jnp.float32)
    bag_idx = jnp.sort(jax.random.randint(ks[1], (N,), 0, B))
    bag_instances = jax.random.normal(ks[2], (N, D), dtype=jnp.float32)
    instance_mu = jax.random.normal(ks[3], (N, D), dtype=jnp.float32)
    instance_std = jax.random.uniform(ks[4], (N, D), dtype=jnp.float32)
    W = jax.random.normal(ks[5], (1, D), dtype=jnp.float32) * (1.0 / np.sqrt(D))
    b = jax.random.normal(ks[6], (1,), dtype=jnp.float32) * 0.01
    return {"z_ins": z_ins, "bag_idx": bag_idx, "bag_instances": bag_instances,
            "instance_mu": instance_mu, "instance_std": instance_std, "W": W, "b": b}


def reference(z_ins, bag_idx, bag_instances, instance_mu, instance_std, W, b):
    # loc_ins = fc_ins(z_ins)
    loc_ins = z_ins @ W.T + b  # [N, 1]
    bags = jnp.unique(bag_idx, size=10000)
    nb = int(bags.shape[0])
    seg = jnp.searchsorted(bags, bag_idx)  # compact segment ids, sorted
    score = loc_ins[:, 0]
    N = score.shape[0]
    # segment max (M per bag)
    M = jax.ops.segment_max(score, seg, num_segments=nb)
    # first global argmax per segment (torch.max returns first max index)
    pos = jnp.arange(N)
    is_max = score == M[seg]
    cand = jnp.where(is_max, pos, N)
    gmax = jax.ops.segment_min(cand, seg, num_segments=nb)
    starts = jax.ops.segment_min(pos, seg, num_segments=nb)
    # NOTE: the original torch code indexes z_ins/bag_instances/instance_mu/instance_std
    # with the LOCAL index returned by torch.max over the segment slice (a bug in the
    # original module). We replicate that behavior faithfully.
    local = gmax - starts
    max_z_ins = z_ins[local]
    max_instances = bag_instances[local]
    max_instances_mu = instance_mu[local]
    max_instances_std = instance_std[local]
    return (M[:, None], max_instances, max_z_ins, loc_ins, max_instances_mu, max_instances_std)

if __name__ == "__main__":
    import jax
    _d = setup_inputs()
    print(jax.jit(kernel)(*tuple(_d.values())))

</pallas_src>

<mosaic_0001>
#map = affine_map<(d0, d1) -> (0)>
#map1 = affine_map<(d0, d1) -> (0, 0)>
module attributes {stable_mosaic.version = 14 : i64} {
  func.func @_sc_segment(%arg0: i32, %arg1: i32, %arg2: memref<320000xf32, #tpu.memory_space<hbm>>, %arg3: memref<320000xi32, #tpu.memory_space<hbm>>, %arg4: memref<320000x128xf32, #tpu.memory_space<hbm>>, %arg5: memref<320000x128xf32, #tpu.memory_space<hbm>>, %arg6: memref<320000x128xf32, #tpu.memory_space<hbm>>, %arg7: memref<320000x128xf32, #tpu.memory_space<hbm>>, %arg8: memref<10000xf32, #tpu.memory_space<hbm>>, %arg9: memref<10000x128xf32, #tpu.memory_space<hbm>>, %arg10: memref<10000x128xf32, #tpu.memory_space<hbm>>, %arg11: memref<10000x128xf32, #tpu.memory_space<hbm>>, %arg12: memref<10000x128xf32, #tpu.memory_space<hbm>>, %arg13: memref<128xi32, #tpu.memory_space<vmem>>, %arg14: memref<128xi32, #tpu.memory_space<vmem>>, %arg15: memref<2560xi32, #tpu.memory_space<vmem>>, %arg16: memref<16384xi32, #tpu.memory_space<vmem>>, %arg17: memref<16384xf32, #tpu.memory_space<vmem>>, %arg18: memref<320xf32, #tpu.memory_space<vmem>>, %arg19: memref<320xi32, #tpu.memory_space<vmem>>, %arg20: memref<320x128xf32, #tpu.memory_space<vmem>>, %arg21: memref<!tpu.dma_semaphore, #tpu.memory_space<semaphore_mem>>) attributes {dimension_semantics = [#tpu.dimension_semantics<core_parallel>, #tpu.dimension_semantics<subcore_parallel>], iteration_bounds = array<i64: 2, 16>, scalar_prefetch = 0 : i64, scratch_operands = 9 : i64, tpu.core_type = #tpu.core_type<sc_vector_subcore>, window_params = [{transform_indices = #map}, {transform_indices = #map}, {transform_indices = #map1}, {transform_indices = #map1}, {transform_indices = #map1}, {transform_indices = #map1}, {transform_indices = #map}, {transform_indices = #map1}, {transform_indices = #map1}, {transform_indices = #map1}, {transform_indices = #map1}]} {
    %mul3A = arith.constant 2 : i32
    %mul3A_0 = arith.muli %arg1, %mul3A : i32
    %add3A = arith.addi %mul3A_0, %arg0 : i32
    %mul3A_1 = arith.constant 320 : i32
    %mul3A_2 = arith.muli %add3A, %mul3A_1 : i32
    %min3A = arith.constant 10000 : i32
    %min3A_3 = arith.minsi %mul3A_2, %min3A : i32
    %add3A_4 = arith.constant 320 : i32
    %add3A_5 = arith.addi %mul3A_2, %add3A_4 : i32
    %min3A_6 = arith.constant 10000 : i32
    %min3A_7 = arith.minsi %add3A_5, %min3A_6 : i32
    %iota3A = tpu.iota {dimensions = array<i32: 0>} : vector<16xi32>
    %broadcast_in_dim3A = arith.constant 0 : i32
    %broadcast_in_dim3A_8 = vector.broadcast %broadcast_in_dim3A : i32 to vector<16xi32>
    %broadcast_in_dim3A_9 = arith.constant 0xFF800000 : f32
    %broadcast_in_dim3A_10 = vector.broadcast %broadcast_in_dim3A_9 : f32 to vector<16xf32>
    %add3A_11 = arith.constant 0 : i32
    %add3A_12 = vector.broadcast %add3A_11 : i32 to vector<16xi32>
    %add3A_13 = arith.addi %iota3A, %add3A_12 : vector<16xi32>
    %lt3A = arith.constant 125 : i32
    %lt3A_14 = vector.broadcast %lt3A : i32 to vector<16xi32>
    %lt3A_15 = arith.cmpi slt, %add3A_13, %lt3A_14 : vector<16xi32>
    %mul3A_16 = arith.constant 2560 : i32
    %mul3A_17 = vector.broadcast %mul3A_16 : i32 to vector<16xi32>
    %mul3A_18 = arith.muli %add3A_13, %mul3A_17 : vector<16xi32>
    %jit3A = arith.constant 0 : i32
    %broadcast_in_dim3A_19 = vector.broadcast %jit3A : i32 to vector<16xi32>
    %select_n3A = arith.select %lt3A_15, %mul3A_18, %broadcast_in_dim3A_19 : vector<16xi1>, vector<16xi32>
    %swap3A = arith.constant 0 : index
    %swap3A_20 = tpu.vector_load %arg13[%swap3A] {strides = array<i32>} : memref<128xi32, #tpu.memory_space<vmem>>, vector<16xi32>,
    tpu.vector_store %arg13[%swap3A], %select_n3A {strides = array<i32>} : memref<128xi32, #tpu.memory_space<vmem>>, vector<16xi32>,
    %add3A_21 = arith.constant 16 : i32
    %add3A_22 = vector.broadcast %add3A_21 : i32 to vector<16xi32>
    %add3A_23 = arith.addi %iota3A, %add3A_22 : vector<16xi32>
    %lt3A_24 = arith.constant 125 : i32
    %lt3A_25 = vector.broadcast %lt3A_24 : i32 to vector<16xi32>
    %lt3A_26 = arith.cmpi slt, %add3A_23, %lt3A_25 : vector<16xi32>
    %mul3A_27 = arith.constant 2560 : i32
    %mul3A_28 = vector.broadcast %mul3A_27 : i32 to vector<16xi32>
    %mul3A_29 = arith.muli %add3A_23, %mul3A_28 : vector<16xi32>
    %jit3A_30 = arith.constant 0 : i32
    %broadcast_in_dim3A_31 = vector.broadcast %jit3A_30 : i32 to vector<16xi32>
    %select_n3A_32 = arith.select %lt3A_26, %mul3A_29, %broadcast_in_dim3A_31 : vector<16xi1>, vector<16xi32>
    %swap3A_33 = arith.constant 16 : index
    %swap3A_34 = tpu.vector_load %arg13[%swap3A_33] {strides = array<i32>} : memref<128xi32, #tpu.memory_space<vmem>>, vector<16xi32>,
    tpu.vector_store %arg13[%swap3A_33], %select_n3A_32 {strides = array<i32>} : memref<128xi32, #tpu.memory_space<vmem>>, vector<16xi32>,
    %add3A_35 = arith.constant 32 : i32
    %add3A_36 = vector.broadcast %add3A_35 : i32 to vector<16xi32>
    %add3A_37 = arith.addi %iota3A, %add3A_36 : vector<16xi32>
    %lt3A_38 = arith.constant 125 : i32
    %lt3A_39 = vector.broadcast %lt3A_38 : i32 to vector<16xi32>
    %lt3A_40 = arith.cmpi slt, %add3A_37, %lt3A_39 : vector<16xi32>
    %mul3A_41 = arith.constant 2560 : i32
    %mul3A_42 = vector.broadcast %mul3A_41 : i32 to vector<16xi32>
    %mul3A_43 = arith.muli %add3A_37, %mul3A_42 : vector<16xi32>
    %jit3A_44 = arith.constant 0 : i32
    %broadcast_in_dim3A_45 = vector.broadcast %jit3A_44 : i32 to vector<16xi32>
    %select_n3A_46 = arith.select %lt3A_40, %mul3A_43, %broadcast_in_dim3A_45 : vector<16xi1>, vector<16xi32>
    %swap3A_47 = arith.constant 32 : index
    %swap3A_48 = tpu.vector_load %arg13[%swap3A_47] {strides = array<i32>} : memref<128xi32, #tpu.memory_space<vmem>>, vector<16xi32>,
    tpu.vector_store %arg13[%swap3A_47], %select_n3A_46 {strides = array<i32>} : memref<128xi32, #tpu.memory_space<vmem>>, vector<16xi32>,
    %add3A_49 = arith.constant 48 : i32
    %add3A_50 = vector.broadcast %add3A_49 : i32 to vector<16xi32>
    %add3A_51 = arith.addi %iota3A, %add3A_50 : vector<16xi32>
    %lt3A_52 = arith.constant 125 : i32
    %lt3A_53 = vector.broadcast %lt3A_52 : i32 to vector<16xi32>
    %lt3A_54 = arith.cmpi slt, %add3A_51, %lt3A_53 : vector<16xi32>
    %mul3A_55 = arith.constant 2560 : i32
    %mul3A_56 = vector.broadcast %mul3A_55 : i32 to vector<16xi32>
    %mul3A_57 = arith.muli %add3A_51, %mul3A_56 : vector<16xi32>
    %jit3A_58 = arith.constant 0 : i32
    %broadcast_in_dim3A_59 = vector.broadcast %jit3A_58 : i32 to vector<16xi32>
    %select_n3A_60 = arith.select %lt3A_54, %mul3A_57, %broadcast_in_dim3A_59 : vector<16xi1>, vector<16xi32>
    %swap3A_61 = arith.constant 48 : index
    %swap3A_62 = tpu.vector_load %arg13[%swap3A_61] {strides = array<i32>} : memref<128xi32, #tpu.memory_space<vmem>>, vector<16xi32>,
    tpu.vector_store %arg13[%swap3A_61], %select_n3A_60 {strides = array<i32>} : memref<128xi32, #tpu.memory_space<vmem>>, vector<16xi32>,
    %add3A_63 = arith.constant 64 : i32
    %add3A_64 = vector.broadcast %add3A_63 : i32 to vector<16xi32>
    %add3A_65 = arith.addi %iota3A, %add3A_64 : vector<16xi32>
    %lt3A_66 = arith.constant 125 : i32
    %lt3A_67 = vector.broadcast %lt3A_66 : i32 to vector<16xi32>
    %lt3A_68 = arith.cmpi slt, %add3A_65, %lt3A_67 : vector<16xi32>
    %mul3A_69 = arith.constant 2560 : i32
    %mul3A_70 = vector.broadcast %mul3A_69 : i32 to vector<16xi32>
    %mul3A_71 = arith.muli %add3A_65, %mul3A_70 : vector<16xi32>
    %jit3A_72 = arith.constant 0 : i32
    %broadcast_in_dim3A_73 = vector.broadcast %jit3A_72 : i32 to vector<16xi32>
    %select_n3A_74 = arith.select %lt3A_68, %mul3A_71, %broadcast_in_dim3A_73 : vector<16xi1>, vector<16xi32>
    %swap3A_75 = arith.constant 64 : index
    %swap3A_76 = tpu.vector_load %arg13[%swap3A_75] {strides = array<i32>} : memref<128xi32, #tpu.memory_space<vmem>>, vector<16xi32>,
    tpu.vector_store %arg13[%swap3A_75], %select_n3A_74 {strides = array<i32>} : memref<128xi32, #tpu.memory_space<vmem>>, vector<16xi32>,
    %add3A_77 = arith.constant 80 : i32
    %add3A_78 = vector.broadcast %add3A_77 : i32 to vector<16xi32>
    %add3A_79 = arith.addi %iota3A, %add3A_78 : vector<16xi32>
    %lt3A_80 = arith.constant 125 : i32
    %lt3A_81 = vector.broadcast %lt3A_80 : i32 to vector<16xi32>
    %lt3A_82 = arith.cmpi slt, %add3A_79, %lt3A_81 : vector<16xi32>
    %mul3A_83 = arith.constant 2560 : i32
    %mul3A_84 = vector.broadcast %mul3A_83 : i32 to vector<16xi32>
    %mul3A_85 = arith.muli %add3A_79, %mul3A_84 : vector<16xi32>
    %jit3A_86 = arith.constant 0 : i32
    %broadcast_in_dim3A_87 = vector.broadcast %jit3A_86 : i32 to vector<16xi32>
    %select_n3A_88 = arith.select %lt3A_82, %mul3A_85, %broadcast_in_dim3A_87 : vector<16xi1>, vector<16xi32>
    %swap3A_89 = arith.constant 80 : index
    %swap3A_90 = tpu.vector_load %arg13[%swap3A_89] {strides = array<i32>} : memref<128xi32, #tpu.memory_space<vmem>>, vector<16xi32>,
    tpu.vector_store %arg13[%swap3A_89], %select_n3A_88 {strides = array<i32>} : memref<128xi32, #tpu.memory_space<vmem>>, vector<16xi32>,
    %add3A_91 = arith.constant 96 : i32
    %add3A_92 = vector.broadcast %add3A_91 : i32 to vector<16xi32>
    %add3A_93 = arith.addi %iota3A, %add3A_92 : vector<16xi32>
    %lt3A_94 = arith.constant 125 : i32
    %lt3A_95 = vector.broadcast %lt3A_94 : i32 to vector<16xi32>
    %lt3A_96 = arith.cmpi slt, %add3A_93, %lt3A_95 : vector<16xi32>
    %mul3A_97 = arith.constant 2560 : i32
    %mul3A_98 = vector.broadcast %mul3A_97 : i32 to vector<16xi32>
    %mul3A_99 = arith.muli %add3A_93, %mul3A_98 : vector<16xi32>
    %jit3A_100 = arith.constant 0 : i32
    %broadcast_in_dim3A_101 = vector.broadcast %jit3A_100 : i32 to vector<16xi32>
    %select_n3A_102 = arith.select %lt3A_96, %mul3A_99, %broadcast_in_dim3A_101 : vector<16xi1>, vector<16xi32>
    %swap3A_103 = arith.constant 96 : index
    %swap3A_104 = tpu.vector_load %arg13[%swap3A_103] {strides = array<i32>} : memref<128xi32, #tpu.memory_space<vmem>>, vector<16xi32>,
    tpu.vector_store %arg13[%swap3A_103], %select_n3A_102 {strides = array<i32>} : memref<128xi32, #tpu.memory_space<vmem>>, vector<16xi32>,
    %add3A_105 = arith.constant 112 : i32
    %add3A_106 = vector.broadcast %add3A_105 : i32 to vector<16xi32>
    %add3A_107 = arith.addi %iota3A, %add3A_106 : vector<16xi32>
    %lt3A_108 = arith.constant 125 : i32
    %lt3A_109 = vector.broadcast %lt3A_108 : i32 to vector<16xi32>
    %lt3A_110 = arith.cmpi slt, %add3A_107, %lt3A_109 : vector<16xi32>
    %mul3A_111 = arith.constant 2560 : i32
    %mul3A_112 = vector.broadcast %mul3A_111 : i32 to vector<16xi32>
    %mul3A_113 = arith.muli %add3A_107, %mul3A_112 : vector<16xi32>
    %jit3A_114 = arith.constant 0 : i32
    %broadcast_in_dim3A_115 = vector.broadcast %jit3A_114 : i32 to vector<16xi32>
    %select_n3A_116 = arith.select %lt3A_110, %mul3A_113, %broadcast_in_dim3A_115 : vector<16xi1>, vector<16xi32>
    %swap3A_117 = arith.constant 112 : index
    %swap3A_118 = tpu.vector_load %arg13[%swap3A_117] {strides = array<i32>} : memref<128xi32, #tpu.memory_space<vmem>>, vector<16xi32>,
    tpu.vector_store %arg13[%swap3A_117], %select_n3A_116 {strides = array<i32>} : memref<128xi32, #tpu.memory_space<vmem>>, vector<16xi32>,
    %dma_start3A = arith.constant 0 : i32
    %dma_start3A_119 = tpu.memref_slice %arg3[%dma_start3A] : memref<320000xi32, #tpu.memory_space<hbm>> -> memref<320000xi32, #tpu.memory_space<hbm>>
    tpu.enqueue_indirect_dma source(%dma_start3A_119 : memref<320000xi32, #tpu.memory_space<hbm>>) target(%arg14 : memref<128xi32, #tpu.memory_space<vmem>>) offsets(%arg13 : memref<128xi32, #tpu.memory_space<vmem>>) semaphore(%arg21 : memref<!tpu.dma_semaphore, #tpu.memory_space<semaphore_mem>>)
    %dma_wait3A = arith.constant 0 : i32
    %dma_wait3A_120 = tpu.memref_slice %arg3[%dma_wait3A] : memref<320000xi32, #tpu.memory_space<hbm>> -> memref<320000xi32, #tpu.memory_space<hbm>>
    tpu.wait_indirect_dma semaphore(%arg21 : memref<!tpu.dma_semaphore, #tpu.memory_space<semaphore_mem>>) src(%dma_wait3A_120 : memref<320000xi32, #tpu.memory_space<hbm>>) dst(%arg14 : memref<128xi32, #tpu.memory_space<vmem>>)
    %scan3A = arith.constant 0 : i32
    %scan3A_121 = arith.constant 0 : i32
    %scan3A_122 = arith.constant 8 : i32
    %scan3A_123 = arith.addi %scan3A_121, %scan3A_122 : i32
    %scan3A_124 = arith.constant 1 : i32
    %scan3A_125 = scf.for %scan3A_216 = %scan3A_121 to %scan3A_123 step %scan3A_124 iter_args(%scan3A_217 = %scan3A) -> (i32)  : i32 {
      %mul3A_218 = arith.constant 16 : i32
      %mul3A_219 = arith.muli %mul3A_218, %scan3A_216 : i32
      %get3A = arith.index_cast %mul3A_219 : i32 to index
      %get3A_220 = tpu.vector_load %arg14[%get3A] {strides = array<i32>} : memref<128xi32, #tpu.memory_space<vmem>>, vector<16xi32>,
      %mul3A_221 = arith.constant 16 : i32
      %mul3A_222 = arith.muli %mul3A_221, %scan3A_216 : i32
      %add3A_223 = vector.broadcast %mul3A_222 : i32 to vector<16xi32>
      %add3A_224 = arith.addi %iota3A, %add3A_223 : vector<16xi32>
      %lt3A_225 = arith.constant 125 : i32
      %lt3A_226 = vector.broadcast %lt3A_225 : i32 to vector<16xi32>
      %lt3A_227 = arith.cmpi slt, %add3A_224, %lt3A_226 : vector<16xi32>
      %lt3A_228 = vector.broadcast %min3A_3 : i32 to vector<16xi32>
      %lt3A_229 = arith.cmpi slt, %get3A_220, %lt3A_228 : vector<16xi32>
      %and3A = arith.andi %lt3A_227, %lt3A_229 : vector<16xi1>
      %all_reduce_population_count3A = tpu.all_reduce %and3A {dim = 0 : i64, kind = #tpu.reduction_kind<sum>} : vector<16xi1> -> vector<16xi32>
      %slice3A = vector.extract_strided_slice %all_reduce_population_count3A {offsets = [0], sizes = [1], strides = [1]} : vector<16xi32> to vector<1xi32>
      %squeeze3A = vector.extract %slice3A[0] : i32 from vector<1xi32>
      %add3A_230 = arith.addi %scan3A_217, %squeeze3A : i32
      scf.yield %add3A_230 : i32
    }
    %scan3A_126 = arith.constant 8 : i32
    %sub3A = arith.constant 1 : i32
    %sub3A_127 = arith.subi %scan3A_125, %sub3A : i32
    %max3A = arith.constant 0 : i32
    %max3A_128 = arith.maxsi %sub3A_127, %max3A : i32
    %mul3A_129 = arith.constant 2560 : i32
    %mul3A_130 = arith.muli %mul3A_129, %max3A_128 : i32
    %multiple_of3A = tpu.assume_multiple %mul3A_130, 8 : i32
    "tpu.region"() ({
      %run_scoped3A = tpu.sem_alloc : memref<!tpu.dma_semaphore, #tpu.memory_space<semaphore_mem>>
      %dma_start3A_216 = tpu.memref_slice %arg3[%multiple_of3A] : memref<320000xi32, #tpu.memory_space<hbm>> -> memref<2560xi32, #tpu.memory_space<hbm>>
      %dma_start3A_217 = tpu.memref_slice %arg3[%multiple_of3A] : memref<320000xi32, #tpu.memory_space<hbm>> -> memref<2560xi32, #tpu.memory_space<hbm>>
      tpu.enqueue_dma source(%dma_start3A_217 : memref<2560xi32, #tpu.memory_space<hbm>>) target(%arg15 : memref<2560xi32, #tpu.memory_space<vmem>>) target_semaphore(%run_scoped3A : memref<!tpu.dma_semaphore, #tpu.memory_space<semaphore_mem>>)
      %dma_wait3A_218 = tpu.memref_slice %arg3[%multiple_of3A] : memref<320000xi32, #tpu.memory_space<hbm>> -> memref<2560xi32, #tpu.memory_space<hbm>>
      %dma_wait3A_219 = tpu.memref_slice %arg3[%multiple_of3A] : memref<320000xi32, #tpu.memory_space<hbm>> -> memref<2560xi32, #tpu.memory_space<hbm>>
      tpu.wait_dma2 semaphore(%run_scoped3A : memref<!tpu.dma_semaphore, #tpu.memory_space<semaphore_mem>>) src(%dma_wait3A_219 : memref<2560xi32, #tpu.memory_space<hbm>>) dst(%arg15 : memref<2560xi32, #tpu.memory_space<vmem>>)
      tpu.yield
    }) : () -> ()
    %scan3A_131 = arith.constant 0 : i32
    %scan3A_132 = arith.constant 0 : i32
    %scan3A_133 = arith.constant 160 : i32
    %scan3A_134 = arith.addi %scan3A_132, %scan3A_133 : i32
    %scan3A_135 = arith.constant 1 : i32
    %scan3A_136 = scf.for %scan3A_216 = %scan3A_132 to %scan3A_134 step %scan3A_135 iter_args(%scan3A_217 = %scan3A_131) -> (i32)  : i32 {
      %mul3A_218 = arith.constant 16 : i32
      %mul3A_219 = arith.muli %mul3A_218, %scan3A_216 : i32
      %get3A = arith.index_cast %mul3A_219 : i32 to index
      %get3A_220 = tpu.vector_load %arg15[%get3A] {strides = array<i32>} : memref<2560xi32, #tpu.memory_space<vmem>>, vector<16xi32>,
      %lt3A_221 = vector.broadcast %min3A_3 : i32 to vector<16xi32>
      %lt3A_222 = arith.cmpi slt, %get3A_220, %lt3A_221 : vector<16xi32>
      %all_reduce_population_count3A = tpu.all_reduce %lt3A_222 {dim = 0 : i64, kind = #tpu.reduction_kind<sum>} : vector<16xi1> -> vector<16xi32>
      %slice3A = vector.extract_strided_slice %all_reduce_population_count3A {offsets = [0], sizes = [1], strides = [1]} : vector<16xi32> to vector<1xi32>
      %squeeze3A = vector.extract %slice3A[0] : i32 from vector<1xi32>
      %add3A_223 = arith.addi %scan3A_217, %squeeze3A : i32
      scf.yield %add3A_223 : i32
    }
    %scan3A_137 = arith.constant 160 : i32
    %add3A_138 = arith.addi %mul3A_130, %scan3A_136 : i32
    %scan3A_139 = arith.constant 0 : i32
    %scan3A_140 = arith.constant 0 : i32
    %scan3A_141 = arith.constant 8 : i32
    %scan3A_142 = arith.addi %scan3A_140, %scan3A_141 : i32
    %scan3A_143 = arith.constant 1 : i32
    %scan3A_144 = scf.for %scan3A_216 = %scan3A_140 to %scan3A_142 step %scan3A_143 iter_args(%scan3A_217 = %scan3A_139) -> (i32)  : i32 {
      %mul3A_218 = arith.constant 16 : i32
      %mul3A_219 = arith.muli %mul3A_218, %scan3A_216 : i32
      %get3A = arith.index_cast %mul3A_219 : i32 to index
      %get3A_220 = tpu.vector_load %arg14[%get3A] {strides = array<i32>} : memref<128xi32, #tpu.memory_space<vmem>>, vector<16xi32>,
      %mul3A_221 = arith.constant 16 : i32
      %mul3A_222 = arith.muli %mul3A_221, %scan3A_216 : i32
      %add3A_223 = vector.broadcast %mul3A_222 : i32 to vector<16xi32>
      %add3A_224 = arith.addi %iota3A, %add3A_223 : vector<16xi32>
      %lt3A_225 = arith.constant 125 : i32
      %lt3A_226 = vector.broadcast %lt3A_225 : i32 to vector<16xi32>
      %lt3A_227 = arith.cmpi slt, %add3A_224, %lt3A_226 : vector<16xi32>
      %lt3A_228 = vector.broadcast %min3A_7 : i32 to vector<16xi32>
      %lt3A_229 = arith.cmpi slt, %get3A_220, %lt3A_228 : vector<16xi32>
      %and3A = arith.andi %lt3A_227, %lt3A_229 : vector<16xi1>
      %all_reduce_population_count3A = tpu.all_reduce %and3A {dim = 0 : i64, kind = #tpu.reduction_kind<sum>} : vector<16xi1> -> vector<16xi32>
      %slice3A = vector.extract_strided_slice %all_reduce_population_count3A {offsets = [0], sizes = [1], strides = [1]} : vector<16xi32> to vector<1xi32>
      %squeeze3A = vector.extract %slice3A[0] : i32 from vector<1xi32>
      %add3A_230 = arith.addi %scan3A_217, %squeeze3A : i32
      scf.yield %add3A_230 : i32
    }
    %scan3A_145 = arith.constant 8 : i32
    %sub3A_146 = arith.constant 1 : i32
    %sub3A_147 = arith.subi %scan3A_144, %sub3A_146 : i32
    %max3A_148 = arith.constant 0 : i32
    %max3A_149 = arith.maxsi %sub3A_147, %max3A_148 : i32
    %mul3A_150 = arith.constant 2560 : i32
    %mul3A_151 = arith.muli %mul3A_150, %max3A_149 : i32
    %multiple_of3A_152 = tpu.assume_multiple %mul3A_151, 8 : i32
    "tpu.region"() ({
      %run_scoped3A = tpu.sem_alloc : memref<!tpu.dma_semaphore, #tpu.memory_space<semaphore_mem>>
      %dma_start3A_216 = tpu.memref_slice %arg3[%multiple_of3A_152] : memref<320000xi32, #tpu.memory_space<hbm>> -> memref<2560xi32, #tpu.memory_space<hbm>>
      %dma_start3A_217 = tpu.memref_slice %arg3[%multiple_of3A_152] : memref<320000xi32, #tpu.memory_space<hbm>> -> memref<2560xi32, #tpu.memory_space<hbm>>
      tpu.enqueue_dma source(%dma_start3A_217 : memref<2560xi32, #tpu.memory_space<hbm>>) target(%arg15 : memref<2560xi32, #tpu.memory_space<vmem>>) target_semaphore(%run_scoped3A : memref<!tpu.dma_semaphore, #tpu.memory_space<semaphore_mem>>)
      %dma_wait3A_218 = tpu.memref_slice %arg3[%multiple_of3A_152] : memref<320000xi32, #tpu.memory_space<hbm>> -> memref<2560xi32, #tpu.memory_space<hbm>>
      %dma_wait3A_219 = tpu.memref_slice %arg3[%multiple_of3A_152] : memref<320000xi32, #tpu.memory_space<hbm>> -> memref<2560xi32, #tpu.memory_space<hbm>>
      tpu.wait_dma2 semaphore(%run_scoped3A : memref<!tpu.dma_semaphore, #tpu.memory_space<semaphore_mem>>) src(%dma_wait3A_219 : memref<2560xi32, #tpu.memory_space<hbm>>) dst(%arg15 : memref<2560xi32, #tpu.memory_space<vmem>>)
      tpu.yield
    }) : () -> ()
    %scan3A_153 = arith.constant 0 : i32
    %scan3A_154 = arith.constant 0 : i32
    %scan3A_155 = arith.constant 160 : i32
    %scan3A_156 = arith.addi %scan3A_154, %scan3A_155 : i32
    %scan3A_157 = arith.constant 1 : i32
    %scan3A_158 = scf.for %scan3A_216 = %scan3A_154 to %scan3A_156 step %scan3A_157 iter_args(%scan3A_217 = %scan3A_153) -> (i32)  : i32 {
      %mul3A_218 = arith.constant 16 : i32
      %mul3A_219 = arith.muli %mul3A_218, %scan3A_216 : i32
      %get3A = arith.index_cast %mul3A_219 : i32 to index
      %get3A_220 = tpu.vector_load %arg15[%get3A] {strides = array<i32>} : memref<2560xi32, #tpu.memory_space<vmem>>, vector<16xi32>,
      %lt3A_221 = vector.broadcast %min3A_7 : i32 to vector<16xi32>
      %lt3A_222 = arith.cmpi slt, %get3A_220, %lt3A_221 : vector<16xi32>
      %all_reduce_population_count3A = tpu.all_reduce %lt3A_222 {dim = 0 : i64, kind = #tpu.reduction_kind<sum>} : vector<16xi1> -> vector<16xi32>
      %slice3A = vector.extract_strided_slice %all_reduce_population_count3A {offsets = [0], sizes = [1], strides = [1]} : vector<16xi32> to vector<1xi32>
      %squeeze3A = vector.extract %slice3A[0] : i32 from vector<1xi32>
      %add3A_223 = arith.addi %scan3A_217, %squeeze3A : i32
      scf.yield %add3A_223 : i32
    }
    %scan3A_159 = arith.constant 160 : i32
    %add3A_160 = arith.addi %mul3A_151, %scan3A_158 : i32
    %swap3A_161 = arith.constant 0 : index
    %swap3A_162 = tpu.vector_load %arg19[%swap3A_161] {strides = array<i32>} : memref<320xi32, #tpu.memory_space<vmem>>, vector<16xi32>,
    tpu.vector_store %arg19[%swap3A_161], %broadcast_in_dim3A_8 {strides = array<i32>} : memref<320xi32, #tpu.memory_space<vmem>>, vector<16xi32>,
    %swap3A_163 = arith.constant 16 : index
    %swap3A_164 = tpu.vector_load %arg19[%swap3A_163] {strides = array<i32>} : memref<320xi32, #tpu.memory_space<vmem>>, vector<16xi32>,
    tpu.vector_store %arg19[%swap3A_163], %broadcast_in_dim3A_8 {strides = array<i32>} : memref<320xi32, #tpu.memory_space<vmem>>, vector<16xi32>,
    %swap3A_165 = arith.constant 32 : index
    %swap3A_166 = tpu.vector_load %arg19[%swap3A_165] {strides = array<i32>} : memref<320xi32, #tpu.memory_space<vmem>>, vector<16xi32>,
    tpu.vector_store %arg19[%swap3A_165], %broadcast_in_dim3A_8 {strides = array<i32>} : memref<320xi32, #tpu.memory_space<vmem>>, vector<16xi32>,
    %swap3A_167 = arith.constant 48 : index
    %swap3A_168 = tpu.vector_load %arg19[%swap3A_167] {strides = array<i32>} : memref<320xi32, #tpu.memory_space<vmem>>, vector<16xi32>,
    tpu.vector_store %arg19[%swap3A_167], %broadcast_in_dim3A_8 {strides = array<i32>} : memref<320xi32, #tpu.memory_space<vmem>>, vector<16xi32>,
    %swap3A_169 = arith.constant 64 : index
    %swap3A_170 = tpu.vector_load %arg19[%swap3A_169] {strides = array<i32>} : memref<320xi32, #tpu.memory_space<vmem>>, vector<16xi32>,
    tpu.vector_store %arg19[%swap3A_169], %broadcast_in_dim3A_8 {strides = array<i32>} : memref<320xi32, #tpu.memory_space<vmem>>, vector<16xi32>,
    %swap3A_171 = arith.constant 80 : index
    %swap3A_172 = tpu.vector_load %arg19[%swap3A_171] {strides = array<i32>} : memref<320xi32, #tpu.memory_space<vmem>>, vector<16xi32>,
    tpu.vector_store %arg19[%swap3A_171], %broadcast_in_dim3A_8 {strides = array<i32>} : memref<320xi32, #tpu.memory_space<vmem>>, vector<16xi32>,
    %swap3A_173 = arith.constant 96 : index
    %swap3A_174 = tpu.vector_load %arg19[%swap3A_173] {strides = array<i32>} : memref<320xi32, #tpu.memory_space<vmem>>, vector<16xi32>,
    tpu.vector_store %arg19[%swap3A_173], %broadcast_in_dim3A_8 {strides = array<i32>} : memref<320xi32, #tpu.memory_space<vmem>>, vector<16xi32>,
    %swap3A_175 = arith.constant 112 : index
    %swap3A_176 = tpu.vector_load %arg19[%swap3A_175] {strides = array<i32>} : memref<320xi32, #tpu.memory_space<vmem>>, vector<16xi32>,
    tpu.vector_store %arg19[%swap3A_175], %broadcast_in_dim3A_8 {strides = array<i32>} : memref<320xi32, #tpu.memory_space<vmem>>, vector<16xi32>,
    %swap3A_177 = arith.constant 128 : index
    %swap3A_178 = tpu.vector_load %arg19[%swap3A_177] {strides = array<i32>} : memref<320xi32, #tpu.memory_space<vmem>>, vector<16xi32>,
    tpu.vector_store %arg19[%swap3A_177], %broadcast_in_dim3A_8 {strides = array<i32>} : memref<320xi32, #tpu.memory_space<vmem>>, vector<16xi32>,
    %swap3A_179 = arith.constant 144 : index
    %swap3A_180 = tpu.vector_load %arg19[%swap3A_179] {strides = array<i32>} : memref<320xi32, #tpu.memory_space<vmem>>, vector<16xi32>,
    tpu.vector_store %arg19[%swap3A_179], %broadcast_in_dim3A_8 {strides = array<i32>} : memref<320xi32, #tpu.memory_space<vmem>>, vector<16xi32>,
    %swap3A_181 = arith.constant 160 : index
    %swap3A_182 = tpu.vector_load %arg19[%swap3A_181] {strides = array<i32>} : memref<320xi32, #tpu.memory_space<vmem>>, vector<16xi32>,
    tpu.vector_store %arg19[%swap3A_181], %broadcast_in_dim3A_8 {strides = array<i32>} : memref<320xi32, #tpu.memory_space<vmem>>, vector<16xi32>,
    %swap3A_183 = arith.constant 176 : index
    %swap3A_184 = tpu.vector_load %arg19[%swap3A_183] {strides = array<i32>} : memref<320xi32, #tpu.memory_space<vmem>>, vector<16xi32>,
    tpu.vector_store %arg19[%swap3A_183], %broadcast_in_dim3A_8 {strides = array<i32>} : memref<320xi32, #tpu.memory_space<vmem>>, vector<16xi32>,
    %swap3A_185 = arith.constant 192 : index
    %swap3A_186 = tpu.vector_load %arg19[%swap3A_185] {strides = array<i32>} : memref<320xi32, #tpu.memory_space<vmem>>, vector<16xi32>,
    tpu.vector_store %arg19[%swap3A_185], %broadcast_in_dim3A_8 {strides = array<i32>} : memref<320xi32, #tpu.memory_space<vmem>>, vector<16xi32>,
    %swap3A_187 = arith.constant 208 : index
    %swap3A_188 = tpu.vector_load %arg19[%swap3A_187] {strides = array<i32>} : memref<320xi32, #tpu.memory_space<vmem>>, vector<16xi32>,
    tpu.vector_store %arg19[%swap3A_187], %broadcast_in_dim3A_8 {strides = array<i32>} : memref<320xi32, #tpu.memory_space<vmem>>, vector<16xi32>,
    %swap3A_189 = arith.constant 224 : index
    %swap3A_190 = tpu.vector_load %arg19[%swap3A_189] {strides = array<i32>} : memref<320xi32, #tpu.memory_space<vmem>>, vector<16xi32>,
    tpu.vector_store %arg19[%swap3A_189], %broadcast_in_dim3A_8 {strides = array<i32>} : memref<320xi32, #tpu.memory_space<vmem>>, vector<16xi32>,
    %swap3A_191 = arith.constant 240 : index
    %swap3A_192 = tpu.vector_load %arg19[%swap3A_191] {strides = array<i32>} : memref<320xi32, #tpu.memory_space<vmem>>, vector<16xi32>,
    tpu.vector_store %arg19[%swap3A_191], %broadcast_in_dim3A_8 {strides = array<i32>} : memref<320xi32, #tpu.memory_space<vmem>>, vector<16xi32>,
    %swap3A_193 = arith.constant 256 : index
    %swap3A_194 = tpu.vector_load %arg19[%swap3A_193] {strides = array<i32>} : memref<320xi32, #tpu.memory_space<vmem>>, vector<16xi32>,
    tpu.vector_store %arg19[%swap3A_193], %broadcast_in_dim3A_8 {strides = array<i32>} : memref<320xi32, #tpu.memory_space<vmem>>, vector<16xi32>,
    %swap3A_195 = arith.constant 272 : index
    %swap3A_196 = tpu.vector_load %arg19[%swap3A_195] {strides = array<i32>} : memref<320xi32, #tpu.memory_space<vmem>>, vector<16xi32>,
    tpu.vector_store %arg19[%swap3A_195], %broadcast_in_dim3A_8 {strides = array<i32>} : memref<320xi32, #tpu.memory_space<vmem>>, vector<16xi32>,
    %swap3A_197 = arith.constant 288 : index
    %swap3A_198 = tpu.vector_load %arg19[%swap3A_197] {strides = array<i32>} : memref<320xi32, #tpu.memory_space<vmem>>, vector<16xi32>,
    tpu.vector_store %arg19[%swap3A_197], %broadcast_in_dim3A_8 {strides = array<i32>} : memref<320xi32, #tpu.memory_space<vmem>>, vector<16xi32>,
    %swap3A_199 = arith.constant 304 : index
    %swap3A_200 = tpu.vector_load %arg19[%swap3A_199] {strides = array<i32>} : memref<320xi32, #tpu.memory_space<vmem>>, vector<16xi32>,
    tpu.vector_store %arg19[%swap3A_199], %broadcast_in_dim3A_8 {strides = array<i32>} : memref<320xi32, #tpu.memory_space<vmem>>, vector<16xi32>,
    %eq3A = arith.constant 0 : i32
    %eq3A_201 = vector.broadcast %eq3A : i32 to vector<16xi32>
    %eq3A_202 = arith.cmpi eq, %iota3A, %eq3A_201 : vector<16xi32>
    %gt3A = arith.cmpi sgt, %add3A_160, %add3A_138 : i32
    %convert_element_type3A = arith.extui %gt3A : i1 to i32
    %cond3A = arith.constant 1073741824 : i32
    %cond3A_203 = arith.constant 2147483647 : i32
    %cond3A_204 = arith.constant 0 : i32
    %cond3A_205 = arith.cmpi ne, %convert_element_type3A, %cond3A_204 : i32
    scf.if %cond3A_205 {
      %jit3A_216 = arith.constant 16 : i32
      %eq3A_217 = arith.constant 0 : i32
      %eq3A_218 = arith.cmpi eq, %jit3A_216, %eq3A_217 : i32
      %jit3A_219 = arith.constant 1 : i32
      %select_n3A_220 = arith.select %eq3A_218, %jit3A_219, %jit3A_216 : i32
      %rem3A = arith.remsi %add3A_138, %select_n3A_220 : i32
      %ne3A = arith.constant 0 : i32
      %ne3A_221 = arith.cmpi ne, %rem3A, %ne3A : i32
      %lt3A_222 = arith.constant 0 : i32
      %lt3A_223 = arith.cmpi slt, %rem3A, %lt3A_222 : i32
      %lt3A_224 = arith.constant 0 : i32
      %lt3A_225 = arith.cmpi slt, %select_n3A_220, %lt3A_224 : i32
      %ne3A_226 = arith.xori %lt3A_223, %lt3A_225 : i1
      %and3A = arith.andi %ne3A_226, %ne3A_221 : i1
      %add3A_227 = arith.addi %rem3A, %select_n3A_220 : i32
      %select_n3A_228 = arith.select %and3A, %add3A_227, %rem3A : i32
      %sub3A_229 = arith.subi %add3A_138, %select_n3A_228 : i32
      %sub3A_230 = arith.subi %add3A_160, %sub3A_229 : i32
      %add3A_231 = arith.constant 15 : i32
      %add3A_232 = arith.addi %sub3A_230, %add3A_231 : i32
      %jit3A_233 = arith.constant 16 : i32
      %div3A = arith.divsi %add3A_232, %jit3A_233 : i32
      %sign3A = arith.constant 0 : i32
      %sign3A_234 = arith.cmpi sgt, %add3A_232, %sign3A : i32
      %sign3A_235 = arith.extui %sign3A_234 : i1 to i32
      %sign3A_236 = arith.constant 0 : i32
      %sign3A_237 = arith.cmpi slt, %add3A_232, %sign3A_236 : i32
      %sign3A_238 = arith.extui %sign3A_237 : i1 to i32
      %sign3A_239 = arith.subi %sign3A_235, %sign3A_238 : i32
      %sign3A_240 = arith.constant 0 : i32
      %sign3A_241 = arith.cmpi sgt, %jit3A_233, %sign3A_240 : i32
      %sign3A_242 = arith.extui %sign3A_241 : i1 to i32
      %sign3A_243 = arith.constant 0 : i32
      %sign3A_244 = arith.cmpi slt, %jit3A_233, %sign3A_243 : i32
      %sign3A_245 = arith.extui %sign3A_244 : i1 to i32
      %sign3A_246 = arith.subi %sign3A_242, %sign3A_245 : i32
      %ne3A_247 = arith.cmpi ne, %sign3A_239, %sign3A_246 : i32
      %rem3A_248 = arith.remsi %add3A_232, %jit3A_233 : i32
      %ne3A_249 = arith.constant 0 : i32
      %ne3A_250 = arith.cmpi ne, %rem3A_248, %ne3A_249 : i32
      %and3A_251 = arith.andi %ne3A_247, %ne3A_250 : i1
      %sub3A_252 = arith.constant 1 : i32
      %sub3A_253 = arith.subi %div3A, %sub3A_252 : i32
      %select_n3A_254 = arith.select %and3A_251, %sub3A_253, %div3A : i32
      %while3A = arith.constant 0 : i32
      %while3A_255 = arith.constant 0 : i32
      %while3A_256 = arith.constant 0 : i32
      %while3A_257 = arith.constant 0 : i32
      %while3A_258 = arith.subi %select_n3A_254, %while3A : i32
      %while3A_259 = arith.addi %while3A, %while3A_258 : i32
      %while3A_260 = arith.constant 1 : i32
      %while3A_261 = arith.divsi %while3A_258, %while3A_260 : i32
      %while3A_262 = arith.muli %while3A_261, %while3A_260 : i32
      %while3A_263 = arith.addi %while3A, %while3A_262 : i32
      %while3A_264 = arith.constant 1 : i32
      %while3A_265:6 = scf.for %while3A_273 = %while3A to %while3A_263 step %while3A_264 iter_args(%while3A_274 = %broadcast_in_dim3A_8, %while3A_275 = %while3A_255, %while3A_276 = %while3A_256, %while3A_277 = %broadcast_in_dim3A_10, %while3A_278 = %broadcast_in_dim3A_8, %while3A_279 = %while3A_257) -> (vector<16xi32>, i32, i32, vector<16xf32>, vector<16xi32>, i32)  : i32 {
        %jit3A_280 = arith.constant 1024 : i32
        %eq3A_281 = arith.constant 0 : i32
        %eq3A_282 = arith.cmpi eq, %jit3A_280, %eq3A_281 : i32
        %jit3A_283 = arith.constant 1 : i32
        %select_n3A_284 = arith.select %eq3A_282, %jit3A_283, %jit3A_280 : i32
        %rem3A_285 = arith.remsi %while3A_273, %select_n3A_284 : i32
        %ne3A_286 = arith.constant 0 : i32
        %ne3A_287 = arith.cmpi ne, %rem3A_285, %ne3A_286 : i32
        %lt3A_288 = arith.constant 0 : i32
        %lt3A_289 = arith.cmpi slt, %rem3A_285, %lt3A_288 : i32
        %lt3A_290 = arith.constant 0 : i32
        %lt3A_291 = arith.cmpi slt, %select_n3A_284, %lt3A_290 : i32
        %ne3A_292 = arith.xori %lt3A_289, %lt3A_291 : i1
        %and3A_293 = arith.andi %ne3A_292, %ne3A_287 : i1
        %add3A_294 = arith.addi %rem3A_285, %select_n3A_284 : i32
        %select_n3A_295 = arith.select %and3A_293, %add3A_294, %rem3A_285 : i32
        %sub3A_296 = arith.subi %while3A_273, %select_n3A_295 : i32
        %mul3A_297 = arith.constant 16 : i32
        %mul3A_298 = arith.muli %mul3A_297, %sub3A_296 : i32
        %add3A_299 = arith.addi %sub3A_229, %mul3A_298 : i32
        %min3A_300 = arith.constant 303616 : i32
        %min3A_301 = arith.minsi %add3A_299, %min3A_300 : i32
        %multiple_of3A_302 = tpu.assume_multiple %min3A_301, 16 : i32
        %jit3A_303 = arith.constant 1024 : i32
        %eq3A_304 = arith.constant 0 : i32
        %eq3A_305 = arith.cmpi eq, %jit3A_303, %eq3A_304 : i32
        %jit3A_306 = arith.constant 1 : i32
        %select_n3A_307 = arith.select %eq3A_305, %jit3A_306, %jit3A_303 : i32
        %rem3A_308 = arith.remsi %while3A_273, %select_n3A_307 : i32
        %ne3A_309 = arith.constant 0 : i32
        %ne3A_310 = arith.cmpi ne, %rem3A_308, %ne3A_309 : i32
        %lt3A_311 = arith.constant 0 : i32
        %lt3A_312 = arith.cmpi slt, %rem3A_308, %lt3A_311 : i32
        %lt3A_313 = arith.constant 0 : i32
        %lt3A_314 = arith.cmpi slt, %select_n3A_307, %lt3A_313 : i32
        %ne3A_315 = arith.xori %lt3A_312, %lt3A_314 : i1
        %and3A_316 = arith.andi %ne3A_315, %ne3A_310 : i1
        %add3A_317 = arith.addi %rem3A_308, %select_n3A_307 : i32
        %select_n3A_318 = arith.select %and3A_316, %add3A_317, %rem3A_308 : i32
        %eq3A_319 = arith.constant 0 : i32
        %eq3A_320 = arith.cmpi eq, %select_n3A_318, %eq3A_319 : i32
        %convert_element_type3A_321 = arith.extui %eq3A_320 : i1 to i32
        %cond3A_322 = arith.constant 0 : i32
        %cond3A_323 = arith.cmpi ne, %convert_element_type3A_321, %cond3A_322 : i32
        scf.if %cond3A_323 {
          "tpu.region"() ({
            %run_scoped3A = tpu.sem_alloc : memref<!tpu.dma_semaphore, #tpu.memory_space<semaphore_mem>>
            %dma_start3A_357 = tpu.memref_slice %arg3[%multiple_of3A_302] : memref<320000xi32, #tpu.memory_space<hbm>> -> memref<16384xi32, #tpu.memory_space<hbm>>
            %dma_start3A_358 = tpu.memref_slice %arg3[%multiple_of3A_302] : memref<320000xi32, #tpu.memory_space<hbm>> -> memref<16384xi32, #tpu.memory_space<hbm>>
            tpu.enqueue_dma source(%dma_start3A_358 : memref<16384xi32, #tpu.memory_space<hbm>>) target(%arg16 : memref<16384xi32, #tpu.memory_space<vmem>>) target_semaphore(%run_scoped3A : memref<!tpu.dma_semaphore, #tpu.memory_space<semaphore_mem>>)
            %dma_wait3A_359 = tpu.memref_slice %arg3[%multiple_of3A_302] : memref<320000xi32, #tpu.memory_space<hbm>> -> memref<16384xi32, #tpu.memory_space<hbm>>
            %dma_wait3A_360 = tpu.memref_slice %arg3[%multiple_of3A_302] : memref<320000xi32, #tpu.memory_space<hbm>> -> memref<16384xi32, #tpu.memory_space<hbm>>
            tpu.wait_dma2 semaphore(%run_scoped3A : memref<!tpu.dma_semaphore, #tpu.memory_space<semaphore_mem>>) src(%dma_wait3A_360 : memref<16384xi32, #tpu.memory_space<hbm>>) dst(%arg16 : memref<16384xi32, #tpu.memory_space<vmem>>)
            tpu.yield
          }) : () -> ()
          "tpu.region"() ({
            %run_scoped3A = tpu.sem_alloc : memref<!tpu.dma_semaphore, #tpu.memory_space<semaphore_mem>>
            %dma_start3A_357 = tpu.memref_slice %arg2[%multiple_of3A_302] : memref<320000xf32, #tpu.memory_space<hbm>> -> memref<16384xf32, #tpu.memory_space<hbm>>
            %dma_start3A_358 = tpu.memref_slice %arg2[%multiple_of3A_302] : memref<320000xf32, #tpu.memory_space<hbm>> -> memref<16384xf32, #tpu.memory_space<hbm>>
            tpu.enqueue_dma source(%dma_start3A_358 : memref<16384xf32, #tpu.memory_space<hbm>>) target(%arg17 : memref<16384xf32, #tpu.memory_space<vmem>>) target_semaphore(%run_scoped3A : memref<!tpu.dma_semaphore, #tpu.memory_space<semaphore_mem>>)
            %dma_wait3A_359 = tpu.memref_slice %arg2[%multiple_of3A_302] : memref<320000xf32, #tpu.memory_space<hbm>> -> memref<16384xf32, #tpu.memory_space<hbm>>
            %dma_wait3A_360 = tpu.memref_slice %arg2[%multiple_of3A_302] : memref<320000xf32, #tpu.memory_space<hbm>> -> memref<16384xf32, #tpu.memory_space<hbm>>
            tpu.wait_dma2 semaphore(%run_scoped3A : memref<!tpu.dma_semaphore, #tpu.memory_space<semaphore_mem>>) src(%dma_wait3A_360 : memref<16384xf32, #tpu.memory_space<hbm>>) dst(%arg17 : memref<16384xf32, #tpu.memory_space<vmem>>)
            tpu.yield
          }) : () -> ()
        } else {
        }
        %mul3A_324 = arith.constant 16 : i32
        %mul3A_325 = arith.muli %mul3A_324, %while3A_273 : i32
        %add3A_326 = arith.addi %sub3A_229, %mul3A_325 : i32
        %sub3A_327 = arith.subi %add3A_326, %multiple_of3A_302 : i32
        %get3A = arith.index_cast %sub3A_327 : i32 to index
        %get3A_328 = tpu.vector_load %arg16[%get3A] {strides = array<i32>} : memref<16384xi32, #tpu.memory_space<vmem>>, vector<16xi32>,
        %get3A_329 = arith.index_cast %sub3A_327 : i32 to index
        %get3A_330 = tpu.vector_load %arg17[%get3A_329] {strides = array<i32>} : memref<16384xf32, #tpu.memory_space<vmem>>, vector<16xf32>,
        %add3A_331 = vector.broadcast %add3A_326 : i32 to vector<16xi32>
        %add3A_332 = arith.addi %add3A_331, %iota3A : vector<16xi32>
        %ge3A = vector.broadcast %add3A_160 : i32 to vector<16xi32>
        %ge3A_333 = arith.cmpi sge, %add3A_332, %ge3A : vector<16xi32>
        %broadcast_in_dim3A_334 = vector.broadcast %cond3A : i32 to vector<16xi32>
        %select_n3A_335 = arith.select %ge3A_333, %broadcast_in_dim3A_334, %get3A_328 : vector<16xi1>, vector<16xi32>
        %eq3A_336 = arith.constant 0 : i32
        %eq3A_337 = arith.cmpi eq, %while3A_273, %eq3A_336 : i32
        %sub3A_338 = arith.subi %add3A_138, %sub3A_229 : i32
        %jit3A_339 = arith.constant 0 : i32
        %select_n3A_340 = arith.select %eq3A_337, %sub3A_338, %jit3A_339 : i32
        %eq3A_341 = arith.constant 0 : i32
        %eq3A_342 = arith.cmpi eq, %while3A_273, %eq3A_341 : i32
        %convert_element_type3A_343 = arith.extui %eq3A_342 : i1 to i32
        %cond3A_344 = arith.constant 0 : i32
        %cond3A_345 = arith.cmpi ne, %convert_element_type3A_343, %cond3A_344 : i32
        %cond3A_346:2 = scf.if %cond3A_345 -> (vector<16xi32>, i32) {
          %broadcast_in_dim3A_357 = vector.broadcast %select_n3A_340 : i32 to vector<16xi32>
          %broadcast_in_dim3A_358 = vector.shape_cast %broadcast_in_dim3A_357 : vector<16xi32> to vector<16x1xi32>
          %gather3A = vector.shape_cast %broadcast_in_dim3A_358 : vector<16x1xi32> to vector<16xi32>
          %gather3A_359 = tpu.dynamic_gather %get3A_328[%gather3A] in [0] : vector<16xi32>, vector<16xi32> -> vector<16xi32>
          scf.yield %gather3A_359, %add3A_138 : vector<16xi32>, i32
        } else {
          scf.yield %while3A_274, %while3A_275 : vector<16xi32>, i32
        }
        %ge3A_347 = vector.broadcast %select_n3A_340 : i32 to vector<16xi32>
        %ge3A_348 = arith.cmpi sge, %iota3A, %ge3A_347 : vector<16xi32>
        %eq3A_349 = arith.cmpi eq, %select_n3A_335, %cond3A_346#0 : vector<16xi32>
        %and3A_350 = arith.andi %ge3A_348, %eq3A_349 : vector<16xi1>
        %all_reduce_population_count3A = tpu.all_reduce %and3A_350 {dim = 0 : i64, kind = #tpu.reduction_kind<sum>} : vector<16xi1> -> vector<16xi32>
        %slice3A = vector.extract_strided_slice %all_reduce_population_count3A {offsets = [0], sizes = [1], strides = [1]} : vector<16xi32> to vector<1xi32>
        %squeeze3A = vector.extract %slice3A[0] : i32 from vector<1xi32>
        %eq3A_351 = arith.constant 16 : i32
        %eq3A_352 = arith.cmpi eq, %squeeze3A, %eq3A_351 : i32
        %convert_element_type3A_353 = arith.extui %eq3A_352 : i1 to i32
        %cond3A_354 = arith.constant 0 : i32
        %cond3A_355 = arith.cmpi ne, %convert_element_type3A_353, %cond3A_354 : i32
        %cond3A_356:6 = scf.if %cond3A_355 -> (vector<16xi32>, i32, i32, vector<16xf32>, vector<16xi32>, i32) {
          %gt3A_357 = arith.cmpf ogt, %get3A_330, %while3A_277 : vector<16xf32>
          %select_n3A_358 = arith.select %gt3A_357, %get3A_330, %while3A_277 : vector<16xi1>, vector<16xf32>
          %select_n3A_359 = arith.select %gt3A_357, %add3A_332, %while3A_278 : vector<16xi1>, vector<16xi32>
          scf.yield %cond3A_346#0, %cond3A_346#1, %while3A_276, %select_n3A_358, %select_n3A_359, %while3A_279 : vector<16xi32>, i32, i32, vector<16xf32>, vector<16xi32>, i32
        } else {
          %while3A_357:7 = scf.while (%while3A_358 = %select_n3A_340, %while3A_359 = %cond3A_346#0, %while3A_360 = %cond3A_346#1, %while3A_361 = %while3A_276, %while3A_362 = %while3A_277, %while3A_363 = %while3A_278, %while3A_364 = %while3A_279) : (i32, vector<16xi32>, i32, i32, vector<16xf32>, vector<16xi32>, i32) -> (i32, vector<16xi32>, i32, i32, vector<16xf32>, vector<16xi32>, i32) {
            %lt3A_365 = arith.constant 16 : i32
            %lt3A_366 = arith.cmpi slt, %while3A_358, %lt3A_365 : i32
            %eq3A_367 = arith.constant 0 : i32
            %eq3A_368 = arith.cmpi eq, %while3A_364, %eq3A_367 : i32
            %and3A_369 = arith.andi %lt3A_366, %eq3A_368 : i1
            scf.condition(%and3A_369) %while3A_358, %while3A_359, %while3A_360, %while3A_361, %while3A_362, %while3A_363, %while3A_364 : i32, vector<16xi32>, i32, i32, vector<16xf32>, vector<16xi32>, i32
          } do {
          ^bb0(%while3A_358: i32, %while3A_359: vector<16xi32>, %while3A_360: i32, %while3A_361: i32, %while3A_362: vector<16xf32>, %while3A_363: vector<16xi32>, %while3A_364: i32):
            %ge3A_365 = vector.broadcast %while3A_358 : i32 to vector<16xi32>
            %ge3A_366 = arith.cmpi sge, %iota3A, %ge3A_365 : vector<16xi32>
            %eq3A_367 = arith.cmpi eq, %select_n3A_335, %while3A_359 : vector<16xi32>
            %and3A_368 = arith.andi %ge3A_366, %eq3A_367 : vector<16xi1>
            %all_reduce_population_count3A_369 = tpu.all_reduce %and3A_368 {dim = 0 : i64, kind = #tpu.reduction_kind<sum>} : vector<16xi1> -> vector<16xi32>
            %slice3A_370 = vector.extract_strided_slice %all_reduce_population_count3A_369 {offsets = [0], sizes = [1], strides = [1]} : vector<16xi32> to vector<1xi32>
            %squeeze3A_371 = vector.extract %slice3A_370[0] : i32 from vector<1xi32>
            %gt3A_372 = arith.cmpf ogt, %get3A_330, %while3A_362 : vector<16xf32>
            %and3A_373 = arith.andi %and3A_368, %gt3A_372 : vector<16xi1>
            %select_n3A_374 = arith.select %and3A_373, %get3A_330, %while3A_362 : vector<16xi1>, vector<16xf32>
            %select_n3A_375 = arith.select %and3A_373, %add3A_332, %while3A_363 : vector<16xi1>, vector<16xi32>
            %add3A_376 = arith.addi %while3A_358, %squeeze3A_371 : i32
            %lt3A_377 = arith.constant 16 : i32
            %lt3A_378 = arith.cmpi slt, %add3A_376, %lt3A_377 : i32
            %convert_element_type3A_379 = arith.extui %lt3A_378 : i1 to i32
            %cond3A_380 = arith.constant 0 : i32
            %cond3A_381 = arith.cmpi ne, %convert_element_type3A_379, %cond3A_380 : i32
            %cond3A_382:6 = scf.if %cond3A_381 -> (vector<16xi32>, i32, i32, vector<16xf32>, vector<16xi32>, i32) {
              %reduce_max3A = arith.constant true
              %reduce_max3A_383 = vector.broadcast %reduce_max3A : i1 to vector<16xi1>
              %reduce_max3A_384 = tpu.scan <max>, %select_n3A_374 masked %reduce_max3A_383 : vector<16xf32>, vector<16xi1> -> vector<16xf32>
              %reduce_max3A_385 = vector.extract %reduce_max3A_384[15] : f32 from vector<16xf32>
              %eq3A_386 = vector.broadcast %reduce_max3A_385 : f32 to vector<16xf32>
              %eq3A_387 = arith.cmpf oeq, %select_n3A_374, %eq3A_386 : vector<16xf32>
              %broadcast_in_dim3A_388 = vector.broadcast %cond3A_203 : i32 to vector<16xi32>
              %select_n3A_389 = arith.select %eq3A_387, %select_n3A_375, %broadcast_in_dim3A_388 : vector<16xi1>, vector<16xi32>
              %reduce_min3A = arith.constant true
              %reduce_min3A_390 = vector.broadcast %reduce_min3A : i1 to vector<16xi1>
              %reduce_min3A_391 = arith.constant -2147483648 : i32
              %reduce_min3A_392 = vector.broadcast %reduce_min3A_391 : i32 to vector<16xi32>
              %reduce_min3A_393 = arith.xori %select_n3A_389, %reduce_min3A_392 : vector<16xi32>
              %reduce_min3A_394 = tpu.scan <min>, %reduce_min3A_393 masked %reduce_min3A_390 : vector<16xi32>, vector<16xi1> -> vector<16xi32>
              %reduce_min3A_395 = arith.xori %reduce_min3A_394, %reduce_min3A_392 : vector<16xi32>
              %reduce_min3A_396 = vector.extract %reduce_min3A_395[15] : i32 from vector<16xi32>
              %sub3A_397 = arith.subi %reduce_min3A_396, %while3A_360 : i32
              %min3A_398 = arith.constant 319 : i32
              %min3A_399 = arith.minsi %while3A_361, %min3A_398 : i32
              %broadcast_in_dim3A_400 = vector.broadcast %min3A_399 : i32 to vector<16xi32>
              %broadcast_in_dim3A_401 = vector.broadcast %reduce_max3A_385 : f32 to vector<16xf32>
              tpu.vector_store_idx %arg18[%broadcast_in_dim3A_400], %broadcast_in_dim3A_401 masked %eq3A_202 : memref<320xf32, #tpu.memory_space<vmem>>[vector<16xi32>], vector<16xf32>, vector<16xi1>
              %broadcast_in_dim3A_402 = vector.broadcast %sub3A_397 : i32 to vector<16xi32>
              tpu.vector_store_idx %arg19[%broadcast_in_dim3A_400], %broadcast_in_dim3A_402 masked %eq3A_202 : memref<320xi32, #tpu.memory_space<vmem>>[vector<16xi32>], vector<16xi32>, vector<16xi1>
              %add3A_403 = arith.addi %add3A_326, %add3A_376 : i32
              %ge3A_404 = arith.cmpi sge, %add3A_403, %add3A_160 : i32
              %jit3A_405 = arith.constant 1 : i32
              %jit3A_406 = arith.constant 0 : i32
              %select_n3A_407 = arith.select %ge3A_404, %jit3A_405, %jit3A_406 : i32
              %min3A_408 = arith.constant 15 : i32
              %min3A_409 = arith.minsi %add3A_376, %min3A_408 : i32
              %broadcast_in_dim3A_410 = vector.broadcast %min3A_409 : i32 to vector<16xi32>
              %broadcast_in_dim3A_411 = vector.shape_cast %broadcast_in_dim3A_410 : vector<16xi32> to vector<16x1xi32>
              %gather3A = vector.shape_cast %broadcast_in_dim3A_411 : vector<16x1xi32> to vector<16xi32>
              %gather3A_412 = tpu.dynamic_gather %get3A_328[%gather3A] in [0] : vector<16xi32>, vector<16xi32> -> vector<16xi32>
              %add3A_413 = arith.constant 1 : i32
              %add3A_414 = arith.addi %while3A_361, %add3A_413 : i32
              scf.yield %gather3A_412, %add3A_403, %add3A_414, %broadcast_in_dim3A_10, %broadcast_in_dim3A_8, %select_n3A_407 : vector<16xi32>, i32, i32, vector<16xf32>, vector<16xi32>, i32
            } else {
              %cond3A_383 = arith.constant 0 : i32
              scf.yield %while3A_359, %while3A_360, %while3A_361, %select_n3A_374, %select_n3A_375, %cond3A_383 : vector<16xi32>, i32, i32, vector<16xf32>, vector<16xi32>, i32
            }
            scf.yield %add3A_376, %cond3A_382#0, %cond3A_382#1, %cond3A_382#2, %cond3A_382#3, %cond3A_382#4, %cond3A_382#5 : i32, vector<16xi32>, i32, i32, vector<16xf32>, vector<16xi32>, i32
          }
          scf.yield %while3A_357#1, %while3A_357#2, %while3A_357#3, %while3A_357#4, %while3A_357#5, %while3A_357#6 : vector<16xi32>, i32, i32, vector<16xf32>, vector<16xi32>, i32
        }
        scf.yield %cond3A_356#0, %cond3A_356#1, %cond3A_356#2, %cond3A_356#3, %cond3A_356#4, %cond3A_356#5 : vector<16xi32>, i32, i32, vector<16xf32>, vector<16xi32>, i32
      }
      %while3A_266 = arith.constant 1 : i32
      %while3A_267:6 = scf.for %while3A_273 = %while3A_263 to %while3A_259 step %while3A_266 iter_args(%while3A_274 = %while3A_265#0, %while3A_275 = %while3A_265#1, %while3A_276 = %while3A_265#2, %while3A_277 = %while3A_265#3, %while3A_278 = %while3A_265#4, %while3A_279 = %while3A_265#5) -> (vector<16xi32>, i32, i32, vector<16xf32>, vector<16xi32>, i32)  : i32 {
        %jit3A_280 = arith.constant 1024 : i32
        %eq3A_281 = arith.constant 0 : i32
        %eq3A_282 = arith.cmpi eq, %jit3A_280, %eq3A_281 : i32
        %jit3A_283 = arith.constant 1 : i32
        %select_n3A_284 = arith.select %eq3A_282, %jit3A_283, %jit3A_280 : i32
        %rem3A_285 = arith.remsi %while3A_273, %select_n3A_284 : i32
        %ne3A_286 = arith.constant 0 : i32
        %ne3A_287 = arith.cmpi ne, %rem3A_285, %ne3A_286 : i32
        %lt3A_288 = arith.constant 0 : i32
        %lt3A_289 = arith.cmpi slt, %rem3A_285, %lt3A_288 : i32
        %lt3A_290 = arith.constant 0 : i32
        %lt3A_291 = arith.cmpi slt, %select_n3A_284, %lt3A_290 : i32
        %ne3A_292 = arith.xori %lt3A_289, %lt3A_291 : i1
        %and3A_293 = arith.andi %ne3A_292, %ne3A_287 : i1
        %add3A_294 = arith.addi %rem3A_285, %select_n3A_284 : i32
        %select_n3A_295 = arith.select %and3A_293, %add3A_294, %rem3A_285 : i32
        %sub3A_296 = arith.subi %while3A_273, %select_n3A_295 : i32
        %mul3A_297 = arith.constant 16 : i32
        %mul3A_298 = arith.muli %mul3A_297, %sub3A_296 : i32
        %add3A_299 = arith.addi %sub3A_229, %mul3A_298 : i32
        %min3A_300 = arith.constant 303616 : i32
        %min3A_301 = arith.minsi %add3A_299, %min3A_300 : i32
        %multiple_of3A_302 = tpu.assume_multiple %min3A_301, 16 : i32
        %jit3A_303 = arith.constant 1024 : i32
        %eq3A_304 = arith.constant 0 : i32
        %eq3A_305 = arith.cmpi eq, %jit3A_303, %eq3A_304 : i32
        %jit3A_306 = arith.constant 1 : i32
        %select_n3A_307 = arith.select %eq3A_305, %jit3A_306, %jit3A_303 : i32
        %rem3A_308 = arith.remsi %while3A_273, %select_n3A_307 : i32
        %ne3A_309 = arith.constant 0 : i32
        %ne3A_310 = arith.cmpi ne, %rem3A_308, %ne3A_309 : i32
        %lt3A_311 = arith.constant 0 : i32
        %lt3A_312 = arith.cmpi slt, %rem3A_308, %lt3A_311 : i32
        %lt3A_313 = arith.constant 0 : i32
        %lt3A_314 = arith.cmpi slt, %select_n3A_307, %lt3A_313 : i32
        %ne3A_315 = arith.xori %lt3A_312, %lt3A_314 : i1
        %and3A_316 = arith.andi %ne3A_315, %ne3A_310 : i1
        %add3A_317 = arith.addi %rem3A_308, %select_n3A_307 : i32
        %select_n3A_318 = arith.select %and3A_316, %add3A_317, %rem3A_308 : i32
        %eq3A_319 = arith.constant 0 : i32
        %eq3A_320 = arith.cmpi eq, %select_n3A_318, %eq3A_319 : i32
        %convert_element_type3A_321 = arith.extui %eq3A_320 : i1 to i32
        %cond3A_322 = arith.constant 0 : i32
        %cond3A_323 = arith.cmpi ne, %convert_element_type3A_321, %cond3A_322 : i32
        scf.if %cond3A_323 {
          "tpu.region"() ({
            %run_scoped3A = tpu.sem_alloc : memref<!tpu.dma_semaphore, #tpu.memory_space<semaphore_mem>>
            %dma_start3A_357 = tpu.memref_slice %arg3[%multiple_of3A_302] : memref<320000xi32, #tpu.memory_space<hbm>> -> memref<16384xi32, #tpu.memory_space<hbm>>
            %dma_start3A_358 = tpu.memref_slice %arg3[%multiple_of3A_302] : memref<320000xi32, #tpu.memory_space<hbm>> -> memref<16384xi32, #tpu.memory_space<hbm>>
            tpu.enqueue_dma source(%dma_start3A_358 : memref<16384xi32, #tpu.memory_space<hbm>>) target(%arg16 : memref<16384xi32, #tpu.memory_space<vmem>>) target_semaphore(%run_scoped3A : memref<!tpu.dma_semaphore, #tpu.memory_space<semaphore_mem>>)
            %dma_wait3A_359 = tpu.memref_slice %arg3[%multiple_of3A_302] : memref<320000xi32, #tpu.memory_space<hbm>> -> memref<16384xi32, #tpu.memory_space<hbm>>
            %dma_wait3A_360 = tpu.memref_slice %arg3[%multiple_of3A_302] : memref<320000xi32, #tpu.memory_space<hbm>> -> memref<16384xi32, #tpu.memory_space<hbm>>
            tpu.wait_dma2 semaphore(%run_scoped3A : memref<!tpu.dma_semaphore, #tpu.memory_space<semaphore_mem>>) src(%dma_wait3A_360 : memref<16384xi32, #tpu.memory_space<hbm>>) dst(%arg16 : memref<16384xi32, #tpu.memory_space<vmem>>)
            tpu.yield
          }) : () -> ()
          "tpu.region"() ({
            %run_scoped3A = tpu.sem_alloc : memref<!tpu.dma_semaphore, #tpu.memory_space<semaphore_mem>>
            %dma_start3A_357 = tpu.memref_slice %arg2[%multiple_of3A_302] : memref<320000xf32, #tpu.memory_space<hbm>> -> memref<16384xf32, #tpu.memory_space<hbm>>
            %dma_start3A_358 = tpu.memref_slice %arg2[%multiple_of3A_302] : memref<320000xf32, #tpu.memory_space<hbm>> -> memref<16384xf32, #tpu.memory_space<hbm>>
            tpu.enqueue_dma source(%dma_start3A_358 : memref<16384xf32, #tpu.memory_space<hbm>>) target(%arg17 : memref<16384xf32, #tpu.memory_space<vmem>>) target_semaphore(%run_scoped3A : memref<!tpu.dma_semaphore, #tpu.memory_space<semaphore_mem>>)
            %dma_wait3A_359 = tpu.memref_slice %arg2[%multiple_of3A_302] : memref<320000xf32, #tpu.memory_space<hbm>> -> memref<16384xf32, #tpu.memory_space<hbm>>
            %dma_wait3A_360 = tpu.memref_slice %arg2[%multiple_of3A_302] : memref<320000xf32, #tpu.memory_space<hbm>> -> memref<16384xf32, #tpu.memory_space<hbm>>
            tpu.wait_dma2 semaphore(%run_scoped3A : memref<!tpu.dma_semaphore, #tpu.memory_space<semaphore_mem>>) src(%dma_wait3A_360 : memref<16384xf32, #tpu.memory_space<hbm>>) dst(%arg17 : memref<16384xf32, #tpu.memory_space<vmem>>)
            tpu.yield
          }) : () -> ()
        } else {
        }
        %mul3A_324 = arith.constant 16 : i32
        %mul3A_325 = arith.muli %mul3A_324, %while3A_273 : i32
        %add3A_326 = arith.addi %sub3A_229, %mul3A_325 : i32
        %sub3A_327 = arith.subi %add3A_326, %multiple_of3A_302 : i32
        %get3A = arith.index_cast %sub3A_327 : i32 to index
        %get3A_328 = tpu.vector_load %arg16[%get3A] {strides = array<i32>} : memref<16384xi32, #tpu.memory_space<vmem>>, vector<16xi32>,
        %get3A_329 = arith.index_cast %sub3A_327 : i32 to index
        %get3A_330 = tpu.vector_load %arg17[%get3A_329] {strides = array<i32>} : memref<16384xf32, #tpu.memory_space<vmem>>, vector<16xf32>,
        %add3A_331 = vector.broadcast %add3A_326 : i32 to vector<16xi32>
        %add3A_332 = arith.addi %add3A_331, %iota3A : vector<16xi32>
        %ge3A = vector.broadcast %add3A_160 : i32 to vector<16xi32>
        %ge3A_333 = arith.cmpi sge, %add3A_332, %ge3A : vector<16xi32>
        %broadcast_in_dim3A_334 = vector.broadcast %cond3A : i32 to vector<16xi32>
        %select_n3A_335 = arith.select %ge3A_333, %broadcast_in_dim3A_334, %get3A_328 : vector<16xi1>, vector<16xi32>
        %eq3A_336 = arith.constant 0 : i32
        %eq3A_337 = arith.cmpi eq, %while3A_273, %eq3A_336 : i32
        %sub3A_338 = arith.subi %add3A_138, %sub3A_229 : i32
        %jit3A_339 = arith.constant 0 : i32
        %select_n3A_340 = arith.select %eq3A_337, %sub3A_338, %jit3A_339 : i32
        %eq3A_341 = arith.constant 0 : i32
        %eq3A_342 = arith.cmpi eq, %while3A_273, %eq3A_341 : i32
        %convert_element_type3A_343 = arith.extui %eq3A_342 : i1 to i32
        %cond3A_344 = arith.constant 0 : i32
        %cond3A_345 = arith.cmpi ne, %convert_element_type3A_343, %cond3A_344 : i32
        %cond3A_346:2 = scf.if %cond3A_345 -> (vector<16xi32>, i32) {
          %broadcast_in_dim3A_357 = vector.broadcast %select_n3A_340 : i32 to vector<16xi32>
          %broadcast_in_dim3A_358 = vector.shape_cast %broadcast_in_dim3A_357 : vector<16xi32> to vector<16x1xi32>
          %gather3A = vector.shape_cast %broadcast_in_dim3A_358 : vector<16x1xi32> to vector<16xi32>
          %gather3A_359 = tpu.dynamic_gather %get3A_328[%gather3A] in [0] : vector<16xi32>, vector<16xi32> -> vector<16xi32>
          scf.yield %gather3A_359, %add3A_138 : vector<16xi32>, i32
        } else {
          scf.yield %while3A_274, %while3A_275 : vector<16xi32>, i32
        }
        %ge3A_347 = vector.broadcast %select_n3A_340 : i32 to vector<16xi32>
        %ge3A_348 = arith.cmpi sge, %iota3A, %ge3A_347 : vector<16xi32>
        %eq3A_349 = arith.cmpi eq, %select_n3A_335, %cond3A_346#0 : vector<16xi32>
        %and3A_350 = arith.andi %ge3A_348, %eq3A_349 : vector<16xi1>
        %all_reduce_population_count3A = tpu.all_reduce %and3A_350 {dim = 0 : i64, kind = #tpu.reduction_kind<sum>} : vector<16xi1> -> vector<16xi32>
        %slice3A = vector.extract_strided_slice %all_reduce_population_count3A {offsets = [0], sizes = [1], strides = [1]} : vector<16xi32> to vector<1xi32>
        %squeeze3A = vector.extract %slice3A[0] : i32 from vector<1xi32>
        %eq3A_351 = arith.constant 16 : i32
        %eq3A_352 = arith.cmpi eq, %squeeze3A, %eq3A_351 : i32
        %convert_element_type3A_353 = arith.extui %eq3A_352 : i1 to i32
        %cond3A_354 = arith.constant 0 : i32
        %cond3A_355 = arith.cmpi ne, %convert_element_type3A_353, %cond3A_354 : i32
        %cond3A_356:6 = scf.if %cond3A_355 -> (vector<16xi32>, i32, i32, vector<16xf32>, vector<16xi32>, i32) {
          %gt3A_357 = arith.cmpf ogt, %get3A_330, %while3A_277 : vector<16xf32>
          %select_n3A_358 = arith.select %gt3A_357, %get3A_330, %while3A_277 : vector<16xi1>, vector<16xf32>
          %select_n3A_359 = arith.select %gt3A_357, %add3A_332, %while3A_278 : vector<16xi1>, vector<16xi32>
          scf.yield %cond3A_346#0, %cond3A_346#1, %while3A_276, %select_n3A_358, %select_n3A_359, %while3A_279 : vector<16xi32>, i32, i32, vector<16xf32>, vector<16xi32>, i32
        } else {
          %while3A_357:7 = scf.while (%while3A_358 = %select_n3A_340, %while3A_359 = %cond3A_346#0, %while3A_360 = %cond3A_346#1, %while3A_361 = %while3A_276, %while3A_362 = %while3A_277, %while3A_363 = %while3A_278, %while3A_364 = %while3A_279) : (i32, vector<16xi32>, i32, i32, vector<16xf32>, vector<16xi32>, i32) -> (i32, vector<16xi32>, i32, i32, vector<16xf32>, vector<16xi32>, i32) {
            %lt3A_365 = arith.constant 16 : i32
            %lt3A_366 = arith.cmpi slt, %while3A_358, %lt3A_365 : i32
            %eq3A_367 = arith.constant 0 : i32
            %eq3A_368 = arith.cmpi eq, %while3A_364, %eq3A_367 : i32
            %and3A_369 = arith.andi %lt3A_366, %eq3A_368 : i1
            scf.condition(%and3A_369) %while3A_358, %while3A_359, %while3A_360, %while3A_361, %while3A_362, %while3A_363, %while3A_364 : i32, vector<16xi32>, i32, i32, vector<16xf32>, vector<16xi32>, i32
          } do {
          ^bb0(%while3A_358: i32, %while3A_359: vector<16xi32>, %while3A_360: i32, %while3A_361: i32, %while3A_362: vector<16xf32>, %while3A_363: vector<16xi32>, %while3A_364: i32):
            %ge3A_365 = vector.broadcast %while3A_358 : i32 to vector<16xi32>
            %ge3A_366 = arith.cmpi sge, %iota3A, %ge3A_365 : vector<16xi32>
            %eq3A_367 = arith.cmpi eq, %select_n3A_335, %while3A_359 : vector<16xi32>
            %and3A_368 = arith.andi %ge3A_366, %eq3A_367 : vector<16xi1>
            %all_reduce_population_count3A_369 = tpu.all_reduce %and3A_368 {dim = 0 : i64, kind = #tpu.reduction_kind<sum>} : vector<16xi1> -> vector<16xi32>
            %slice3A_370 = vector.extract_strided_slice %all_reduce_population_count3A_369 {offsets = [0], sizes = [1], strides = [1]} : vector<16xi32> to vector<1xi32>
            %squeeze3A_371 = vector.extract %slice3A_370[0] : i32 from vector<1xi32>
            %gt3A_372 = arith.cmpf ogt, %get3A_330, %while3A_362 : vector<16xf32>
            %and3A_373 = arith.andi %and3A_368, %gt3A_372 : vector<16xi1>
            %select_n3A_374 = arith.select %and3A_373, %get3A_330, %while3A_362 : vector<16xi1>, vector<16xf32>
            %select_n3A_375 = arith.select %and3A_373, %add3A_332, %while3A_363 : vector<16xi1>, vector<16xi32>
            %add3A_376 = arith.addi %while3A_358, %squeeze3A_371 : i32
            %lt3A_377 = arith.constant 16 : i32
            %lt3A_378 = arith.cmpi slt, %add3A_376, %lt3A_377 : i32
            %convert_element_type3A_379 = arith.extui %lt3A_378 : i1 to i32
            %cond3A_380 = arith.constant 0 : i32
            %cond3A_381 = arith.cmpi ne, %convert_element_type3A_379, %cond3A_380 : i32
            %cond3A_382:6 = scf.if %cond3A_381 -> (vector<16xi32>, i32, i32, vector<16xf32>, vector<16xi32>, i32) {
              %reduce_max3A = arith.constant true
              %reduce_max3A_383 = vector.broadcast %reduce_max3A : i1 to vector<16xi1>
              %reduce_max3A_384 = tpu.scan <max>, %select_n3A_374 masked %reduce_max3A_383 : vector<16xf32>, vector<16xi1> -> vector<16xf32>
              %reduce_max3A_385 = vector.extract %reduce_max3A_384[15] : f32 from vector<16xf32>
              %eq3A_386 = vector.broadcast %reduce_max3A_385 : f32 to vector<16xf32>
              %eq3A_387 = arith.cmpf oeq, %select_n3A_374, %eq3A_386 : vector<16xf32>
              %broadcast_in_dim3A_388 = vector.broadcast %cond3A_203 : i32 to vector<16xi32>
              %select_n3A_389 = arith.select %eq3A_387, %select_n3A_375, %broadcast_in_dim3A_388 : vector<16xi1>, vector<16xi32>
              %reduce_min3A = arith.constant true
              %reduce_min3A_390 = vector.broadcast %reduce_min3A : i1 to vector<16xi1>
              %reduce_min3A_391 = arith.constant -2147483648 : i32
              %reduce_min3A_392 = vector.broadcast %reduce_min3A_391 : i32 to vector<16xi32>
              %reduce_min3A_393 = arith.xori %select_n3A_389, %reduce_min3A_392 : vector<16xi32>
              %reduce_min3A_394 = tpu.scan <min>, %reduce_min3A_393 masked %reduce_min3A_390 : vector<16xi32>, vector<16xi1> -> vector<16xi32>
              %reduce_min3A_395 = arith.xori %reduce_min3A_394, %reduce_min3A_392 : vector<16xi32>
              %reduce_min3A_396 = vector.extract %reduce_min3A_395[15] : i32 from vector<16xi32>
              %sub3A_397 = arith.subi %reduce_min3A_396, %while3A_360 : i32
              %min3A_398 = arith.constant 319 : i32
              %min3A_399 = arith.minsi %while3A_361, %min3A_398 : i32
              %broadcast_in_dim3A_400 = vector.broadcast %min3A_399 : i32 to vector<16xi32>
              %broadcast_in_dim3A_401 = vector.broadcast %reduce_max3A_385 : f32 to vector<16xf32>
              tpu.vector_store_idx %arg18[%broadcast_in_dim3A_400], %broadcast_in_dim3A_401 masked %eq3A_202 : memref<320xf32, #tpu.memory_space<vmem>>[vector<16xi32>], vector<16xf32>, vector<16xi1>
              %broadcast_in_dim3A_402 = vector.broadcast %sub3A_397 : i32 to vector<16xi32>
              tpu.vector_store_idx %arg19[%broadcast_in_dim3A_400], %broadcast_in_dim3A_402 masked %eq3A_202 : memref<320xi32, #tpu.memory_space<vmem>>[vector<16xi32>], vector<16xi32>, vector<16xi1>
              %add3A_403 = arith.addi %add3A_326, %add3A_376 : i32
              %ge3A_404 = arith.cmpi sge, %add3A_403, %add3A_160 : i32
              %jit3A_405 = arith.constant 1 : i32
              %jit3A_406 = arith.constant 0 : i32
              %select_n3A_407 = arith.select %ge3A_404, %jit3A_405, %jit3A_406 : i32
              %min3A_408 = arith.constant 15 : i32
              %min3A_409 = arith.minsi %add3A_376, %min3A_408 : i32
              %broadcast_in_dim3A_410 = vector.broadcast %min3A_409 : i32 to vector<16xi32>
              %broadcast_in_dim3A_411 = vector.shape_cast %broadcast_in_dim3A_410 : vector<16xi32> to vector<16x1xi32>
              %gather3A = vector.shape_cast %broadcast_in_dim3A_411 : vector<16x1xi32> to vector<16xi32>
              %gather3A_412 = tpu.dynamic_gather %get3A_328[%gather3A] in [0] : vector<16xi32>, vector<16xi32> -> vector<16xi32>
              %add3A_413 = arith.constant 1 : i32
              %add3A_414 = arith.addi %while3A_361, %add3A_413 : i32
              scf.yield %gather3A_412, %add3A_403, %add3A_414, %broadcast_in_dim3A_10, %broadcast_in_dim3A_8, %select_n3A_407 : vector<16xi32>, i32, i32, vector<16xf32>, vector<16xi32>, i32
            } else {
              %cond3A_383 = arith.constant 0 : i32
              scf.yield %while3A_359, %while3A_360, %while3A_361, %select_n3A_374, %select_n3A_375, %cond3A_383 : vector<16xi32>, i32, i32, vector<16xf32>, vector<16xi32>, i32
            }
            scf.yield %add3A_376, %cond3A_382#0, %cond3A_382#1, %cond3A_382#2, %cond3A_382#3, %cond3A_382#4, %cond3A_382#5 : i32, vector<16xi32>, i32, i32, vector<16xf32>, vector<16xi32>, i32
          }
          scf.yield %while3A_357#1, %while3A_357#2, %while3A_357#3, %while3A_357#4, %while3A_357#5, %while3A_357#6 : vector<16xi32>, i32, i32, vector<16xf32>, vector<16xi32>, i32
        }
        scf.yield %cond3A_356#0, %cond3A_356#1, %cond3A_356#2, %cond3A_356#3, %cond3A_356#4, %cond3A_356#5 : vector<16xi32>, i32, i32, vector<16xf32>, vector<16xi32>, i32
      }
      %eq3A_268 = arith.constant 0 : i32
      %eq3A_269 = arith.cmpi eq, %while3A_267#5, %eq3A_268 : i32
      %convert_element_type3A_270 = arith.extui %eq3A_269 : i1 to i32
      %cond3A_271 = arith.constant 0 : i32
      %cond3A_272 = arith.cmpi ne, %convert_element_type3A_270, %cond3A_271 : i32
      scf.if %cond3A_272 {
        %reduce_max3A = arith.constant true
        %reduce_max3A_273 = vector.broadcast %reduce_max3A : i1 to vector<16xi1>
        %reduce_max3A_274 = tpu.scan <max>, %while3A_267#3 masked %reduce_max3A_273 : vector<16xf32>, vector<16xi1> -> vector<16xf32>
        %reduce_max3A_275 = vector.extract %reduce_max3A_274[15] : f32 from vector<16xf32>
        %eq3A_276 = vector.broadcast %reduce_max3A_275 : f32 to vector<16xf32>
        %eq3A_277 = arith.cmpf oeq, %while3A_267#3, %eq3A_276 : vector<16xf32>
        %broadcast_in_dim3A_278 = vector.broadcast %cond3A_203 : i32 to vector<16xi32>
        %select_n3A_279 = arith.select %eq3A_277, %while3A_267#4, %broadcast_in_dim3A_278 : vector<16xi1>, vector<16xi32>
        %reduce_min3A = arith.constant true
        %reduce_min3A_280 = vector.broadcast %reduce_min3A : i1 to vector<16xi1>
        %reduce_min3A_281 = arith.constant -2147483648 : i32
        %reduce_min3A_282 = vector.broadcast %reduce_min3A_281 : i32 to vector<16xi32>
        %reduce_min3A_283 = arith.xori %select_n3A_279, %reduce_min3A_282 : vector<16xi32>
        %reduce_min3A_284 = tpu.scan <min>, %reduce_min3A_283 masked %reduce_min3A_280 : vector<16xi32>, vector<16xi1> -> vector<16xi32>
        %reduce_min3A_285 = arith.xori %reduce_min3A_284, %reduce_min3A_282 : vector<16xi32>
        %reduce_min3A_286 = vector.extract %reduce_min3A_285[15] : i32 from vector<16xi32>
        %sub3A_287 = arith.subi %reduce_min3A_286, %while3A_267#1 : i32
        %min3A_288 = arith.constant 319 : i32
        %min3A_289 = arith.minsi %while3A_267#2, %min3A_288 : i32
        %broadcast_in_dim3A_290 = vector.broadcast %min3A_289 : i32 to vector<16xi32>
        %broadcast_in_dim3A_291 = vector.broadcast %reduce_max3A_275 : f32 to vector<16xf32>
        tpu.vector_store_idx %arg18[%broadcast_in_dim3A_290], %broadcast_in_dim3A_291 masked %eq3A_202 : memref<320xf32, #tpu.memory_space<vmem>>[vector<16xi32>], vector<16xf32>, vector<16xi1>
        %broadcast_in_dim3A_292 = vector.broadcast %sub3A_287 : i32 to vector<16xi32>
        tpu.vector_store_idx %arg19[%broadcast_in_dim3A_290], %broadcast_in_dim3A_292 masked %eq3A_202 : memref<320xi32, #tpu.memory_space<vmem>>[vector<16xi32>], vector<16xi32>, vector<16xi1>
      } else {
      }
    } else {
    }
    %lt3A_206 = arith.constant 31 : i32
    %lt3A_207 = arith.cmpi slt, %add3A, %lt3A_206 : i32
    %convert_element_type3A_208 = arith.extui %lt3A_207 : i1 to i32
    %cond3A_209 = arith.constant 0 : i32
    %cond3A_210 = arith.cmpi ne, %convert_element_type3A_208, %cond3A_209 : i32
    scf.if %cond3A_210 {
      %multiple_of3A_216 = tpu.assume_multiple %mul3A_2, 8 : i32
      "tpu.region"() ({
        %run_scoped3A = tpu.sem_alloc : memref<!tpu.dma_semaphore, #tpu.memory_space<semaphore_mem>>
        %dma_start3A_413 = tpu.memref_slice %arg8[%multiple_of3A_216] : memref<10000xf32, #tpu.memory_space<hbm>> -> memref<320xf32, #tpu.memory_space<hbm>>
        %dma_start3A_414 = tpu.memref_slice %arg8[%multiple_of3A_216] : memref<10000xf32, #tpu.memory_space<hbm>> -> memref<320xf32, #tpu.memory_space<hbm>>
        tpu.enqueue_dma source(%arg18 : memref<320xf32, #tpu.memory_space<vmem>>) target(%dma_start3A_414 : memref<320xf32, #tpu.memory_space<hbm>>) target_semaphore(%run_scoped3A : memref<!tpu.dma_semaphore, #tpu.memory_space<semaphore_mem>>)
        %dma_wait3A_415 = tpu.memref_slice %arg8[%multiple_of3A_216] : memref<10000xf32, #tpu.memory_space<hbm>> -> memref<320xf32, #tpu.memory_space<hbm>>
        %dma_wait3A_416 = tpu.memref_slice %arg8[%multiple_of3A_216] : memref<10000xf32, #tpu.memory_space<hbm>> -> memref<320xf32, #tpu.memory_space<hbm>>
        tpu.wait_dma2 semaphore(%run_scoped3A : memref<!tpu.dma_semaphore, #tpu.memory_space<semaphore_mem>>) src(%arg18 : memref<320xf32, #tpu.memory_space<vmem>>) dst(%dma_wait3A_416 : memref<320xf32, #tpu.memory_space<hbm>>)
        tpu.yield
      }) : () -> ()
      %dma_start3A_217 = arith.constant 0 : i32
      %dma_start3A_218 = arith.constant 0 : i32
      %dma_start3A_219 = tpu.memref_slice %arg20[%dma_start3A_217, %dma_start3A_218] : memref<320x128xf32, #tpu.memory_space<vmem>> -> memref<128x128xf32, #tpu.memory_space<vmem>>
      %dma_start3A_220 = arith.constant 0 : i32
      %dma_start3A_221 = tpu.memref_slice %arg19[%dma_start3A_220] : memref<320xi32, #tpu.memory_space<vmem>> -> memref<128xi32, #tpu.memory_space<vmem>>
      %dma_start3A_222 = arith.constant 0 : i32
      %dma_start3A_223 = arith.constant 0 : i32
      %dma_start3A_224 = tpu.memref_slice %arg4[%dma_start3A_222, %dma_start3A_223] : memref<320000x128xf32, #tpu.memory_space<hbm>> -> memref<320000x128xf32, #tpu.memory_space<hbm>>
      tpu.enqueue_indirect_dma source(%dma_start3A_224 : memref<320000x128xf32, #tpu.memory_space<hbm>>) target(%dma_start3A_219 : memref<128x128xf32, #tpu.memory_space<vmem>>) offsets(%dma_start3A_221 : memref<128xi32, #tpu.memory_space<vmem>>) semaphore(%arg21 : memref<!tpu.dma_semaphore, #tpu.memory_space<semaphore_mem>>)
      %dma_start3A_225 = arith.constant 128 : i32
      %dma_start3A_226 = arith.constant 0 : i32
      %dma_start3A_227 = tpu.memref_slice %arg20[%dma_start3A_225, %dma_start3A_226] : memref<320x128xf32, #tpu.memory_space<vmem>> -> memref<128x128xf32, #tpu.memory_space<vmem>>
      %dma_start3A_228 = arith.constant 128 : i32
      %dma_start3A_229 = tpu.memref_slice %arg19[%dma_start3A_228] : memref<320xi32, #tpu.memory_space<vmem>> -> memref<128xi32, #tpu.memory_space<vmem>>
      %dma_start3A_230 = arith.constant 0 : i32
      %dma_start3A_231 = arith.constant 0 : i32
      %dma_start3A_232 = tpu.memref_slice %arg4[%dma_start3A_230, %dma_start3A_231] : memref<320000x128xf32, #tpu.memory_space<hbm>> -> memref<320000x128xf32, #tpu.memory_space<hbm>>
      tpu.enqueue_indirect_dma source(%dma_start3A_232 : memref<320000x128xf32, #tpu.memory_space<hbm>>) target(%dma_start3A_227 : memref<128x128xf32, #tpu.memory_space<vmem>>) offsets(%dma_start3A_229 : memref<128xi32, #tpu.memory_space<vmem>>) semaphore(%arg21 : memref<!tpu.dma_semaphore, #tpu.memory_space<semaphore_mem>>)
      %dma_start3A_233 = arith.constant 256 : i32
      %dma_start3A_234 = arith.constant 0 : i32
      %dma_start3A_235 = tpu.memref_slice %arg20[%dma_start3A_233, %dma_start3A_234] : memref<320x128xf32, #tpu.memory_space<vmem>> -> memref<64x128xf32, #tpu.memory_space<vmem>>
      %dma_start3A_236 = arith.constant 256 : i32
      %dma_start3A_237 = tpu.memref_slice %arg19[%dma_start3A_236] : memref<320xi32, #tpu.memory_space<vmem>> -> memref<64xi32, #tpu.memory_space<vmem>>
      %dma_start3A_238 = arith.constant 0 : i32
      %dma_start3A_239 = arith.constant 0 : i32
      %dma_start3A_240 = tpu.memref_slice %arg4[%dma_start3A_238, %dma_start3A_239] : memref<320000x128xf32, #tpu.memory_space<hbm>> -> memref<320000x128xf32, #tpu.memory_space<hbm>>
      tpu.enqueue_indirect_dma source(%dma_start3A_240 : memref<320000x128xf32, #tpu.memory_space<hbm>>) target(%dma_start3A_235 : memref<64x128xf32, #tpu.memory_space<vmem>>) offsets(%dma_start3A_237 : memref<64xi32, #tpu.memory_space<vmem>>) semaphore(%arg21 : memref<!tpu.dma_semaphore, #tpu.memory_space<semaphore_mem>>)
      %dma_wait3A_241 = arith.constant 0 : i32
      %dma_wait3A_242 = arith.constant 0 : i32
      %dma_wait3A_243 = tpu.memref_slice %arg20[%dma_wait3A_241, %dma_wait3A_242] : memref<320x128xf32, #tpu.memory_space<vmem>> -> memref<128x128xf32, #tpu.memory_space<vmem>>
      %dma_wait3A_244 = arith.constant 0 : i32
      %dma_wait3A_245 = tpu.memref_slice %arg19[%dma_wait3A_244] : memref<320xi32, #tpu.memory_space<vmem>> -> memref<128xi32, #tpu.memory_space<vmem>>
      %dma_wait3A_246 = arith.constant 0 : i32
      %dma_wait3A_247 = arith.constant 0 : i32
      %dma_wait3A_248 = tpu.memref_slice %arg4[%dma_wait3A_246, %dma_wait3A_247] : memref<320000x128xf32, #tpu.memory_space<hbm>> -> memref<320000x128xf32, #tpu.memory_space<hbm>>
      tpu.wait_indirect_dma semaphore(%arg21 : memref<!tpu.dma_semaphore, #tpu.memory_space<semaphore_mem>>) src(%dma_wait3A_248 : memref<320000x128xf32, #tpu.memory_space<hbm>>) dst(%dma_wait3A_243 : memref<128x128xf32, #tpu.memory_space<vmem>>)
      %dma_wait3A_249 = arith.constant 128 : i32
      %dma_wait3A_250 = arith.constant 0 : i32
      %dma_wait3A_251 = tpu.memref_slice %arg20[%dma_wait3A_249, %dma_wait3A_250] : memref<320x128xf32, #tpu.memory_space<vmem>> -> memref<128x128xf32, #tpu.memory_space<vmem>>
      %dma_wait3A_252 = arith.constant 128 : i32
      %dma_wait3A_253 = tpu.memref_slice %arg19[%dma_wait3A_252] : memref<320xi32, #tpu.memory_space<vmem>> -> memref<128xi32, #tpu.memory_space<vmem>>
      %dma_wait3A_254 = arith.constant 0 : i32
      %dma_wait3A_255 = arith.constant 0 : i32
      %dma_wait3A_256 = tpu.memref_slice %arg4[%dma_wait3A_254, %dma_wait3A_255] : memref<320000x128xf32, #tpu.memory_space<hbm>> -> memref<320000x128xf32, #tpu.memory_space<hbm>>
      tpu.wait_indirect_dma semaphore(%arg21 : memref<!tpu.dma_semaphore, #tpu.memory_space<semaphore_mem>>) src(%dma_wait3A_256 : memref<320000x128xf32, #tpu.memory_space<hbm>>) dst(%dma_wait3A_251 : memref<128x128xf32, #tpu.memory_space<vmem>>)
      %dma_wait3A_257 = arith.constant 256 : i32
      %dma_wait3A_258 = arith.constant 0 : i32
      %dma_wait3A_259 = tpu.memref_slice %arg20[%dma_wait3A_257, %dma_wait3A_258] : memref<320x128xf32, #tpu.memory_space<vmem>> -> memref<64x128xf32, #tpu.memory_space<vmem>>
      %dma_wait3A_260 = arith.constant 256 : i32
      %dma_wait3A_261 = tpu.memref_slice %arg19[%dma_wait3A_260] : memref<320xi32, #tpu.memory_space<vmem>> -> memref<64xi32, #tpu.memory_space<vmem>>
      %dma_wait3A_262 = arith.constant 0 : i32
      %dma_wait3A_263 = arith.constant 0 : i32
      %dma_wait3A_264 = tpu.memref_slice %arg4[%dma_wait3A_262, %dma_wait3A_263] : memref<320000x128xf32, #tpu.memory_space<hbm>> -> memref<320000x128xf32, #tpu.memory_space<hbm>>
      tpu.wait_indirect_dma semaphore(%arg21 : memref<!tpu.dma_semaphore, #tpu.memory_space<semaphore_mem>>) src(%dma_wait3A_264 : memref<320000x128xf32, #tpu.memory_space<hbm>>) dst(%dma_wait3A_259 : memref<64x128xf32, #tpu.memory_space<vmem>>)
      %multiple_of3A_265 = tpu.assume_multiple %mul3A_2, 8 : i32
      "tpu.region"() ({
        %run_scoped3A = tpu.sem_alloc : memref<!tpu.dma_semaphore, #tpu.memory_space<semaphore_mem>>
        %dma_start3A_413 = arith.constant 0 : i32
        %dma_start3A_414 = tpu.memref_slice %arg9[%multiple_of3A_265, %dma_start3A_413] : memref<10000x128xf32, #tpu.memory_space<hbm>> -> memref<320x128xf32, #tpu.memory_space<hbm>>
        %dma_start3A_415 = arith.constant 0 : i32
        %dma_start3A_416 = tpu.memref_slice %arg9[%multiple_of3A_265, %dma_start3A_415] : memref<10000x128xf32, #tpu.memory_space<hbm>> -> memref<320x128xf32, #tpu.memory_space<hbm>>
        tpu.enqueue_dma source(%arg20 : memref<320x128xf32, #tpu.memory_space<vmem>>) target(%dma_start3A_416 : memref<320x128xf32, #tpu.memory_space<hbm>>) target_semaphore(%run_scoped3A : memref<!tpu.dma_semaphore, #tpu.memory_space<semaphore_mem>>)
        %dma_wait3A_417 = arith.constant 0 : i32
        %dma_wait3A_418 = tpu.memref_slice %arg9[%multiple_of3A_265, %dma_wait3A_417] : memref<10000x128xf32, #tpu.memory_space<hbm>> -> memref<320x128xf32, #tpu.memory_space<hbm>>
        %dma_wait3A_419 = arith.constant 0 : i32
        %dma_wait3A_420 = tpu.memref_slice %arg9[%multiple_of3A_265, %dma_wait3A_419] : memref<10000x128xf32, #tpu.memory_space<hbm>> -> memref<320x128xf32, #tpu.memory_space<hbm>>
        tpu.wait_dma2 semaphore(%run_scoped3A : memref<!tpu.dma_semaphore, #tpu.memory_space<semaphore_mem>>) src(%arg20 : memref<320x128xf32, #tpu.memory_space<vmem>>) dst(%dma_wait3A_420 : memref<320x128xf32, #tpu.memory_space<hbm>>)
        tpu.yield
      }) : () -> ()
      %dma_start3A_266 = arith.constant 0 : i32
      %dma_start3A_267 = arith.constant 0 : i32
      %dma_start3A_268 = tpu.memref_slice %arg20[%dma_start3A_266, %dma_start3A_267] : memref<320x128xf32, #tpu.memory_space<vmem>> -> memref<128x128xf32, #tpu.memory_space<vmem>>
      %dma_start3A_269 = arith.constant 0 : i32
      %dma_start3A_270 = tpu.memref_slice %arg19[%dma_start3A_269] : memref<320xi32, #tpu.memory_space<vmem>> -> memref<128xi32, #tpu.memory_space<vmem>>
      %dma_start3A_271 = arith.constant 0 : i32
      %dma_start3A_272 = arith.constant 0 : i32
      %dma_start3A_273 = tpu.memref_slice %arg5[%dma_start3A_271, %dma_start3A_272] : memref<320000x128xf32, #tpu.memory_space<hbm>> -> memref<320000x128xf32, #tpu.memory_space<hbm>>
      tpu.enqueue_indirect_dma source(%dma_start3A_273 : memref<320000x128xf32, #tpu.memory_space<hbm>>) target(%dma_start3A_268 : memref<128x128xf32, #tpu.memory_space<vmem>>) offsets(%dma_start3A_270 : memref<128xi32, #tpu.memory_space<vmem>>) semaphore(%arg21 : memref<!tpu.dma_semaphore, #tpu.memory_space<semaphore_mem>>)
      %dma_start3A_274 = arith.constant 128 : i32
      %dma_start3A_275 = arith.constant 0 : i32
      %dma_start3A_276 = tpu.memref_slice %arg20[%dma_start3A_274, %dma_start3A_275] : memref<320x128xf32, #tpu.memory_space<vmem>> -> memref<128x128xf32, #tpu.memory_space<vmem>>
      %dma_start3A_277 = arith.constant 128 : i32
      %dma_start3A_278 = tpu.memref_slice %arg19[%dma_start3A_277] : memref<320xi32, #tpu.memory_space<vmem>> -> memref<128xi32, #tpu.memory_space<vmem>>
      %dma_start3A_279 = arith.constant 0 : i32
      %dma_start3A_280 = arith.constant 0 : i32
      %dma_start3A_281 = tpu.memref_slice %arg5[%dma_start3A_279, %dma_start3A_280] : memref<320000x128xf32, #tpu.memory_space<hbm>> -> memref<320000x128xf32, #tpu.memory_space<hbm>>
      tpu.enqueue_indirect_dma source(%dma_start3A_281 : memref<320000x128xf32, #tpu.memory_space<hbm>>) target(%dma_start3A_276 : memref<128x128xf32, #tpu.memory_space<vmem>>) offsets(%dma_start3A_278 : memref<128xi32, #tpu.memory_space<vmem>>) semaphore(%arg21 : memref<!tpu.dma_semaphore, #tpu.memory_space<semaphore_mem>>)
      %dma_start3A_282 = arith.constant 256 : i32
      %dma_start3A_283 = arith.constant 0 : i32
      %dma_start3A_284 = tpu.memref_slice %arg20[%dma_start3A_282, %dma_start3A_283] : memref<320x128xf32, #tpu.memory_space<vmem>> -> memref<64x128xf32, #tpu.memory_space<vmem>>
      %dma_start3A_285 = arith.constant 256 : i32
      %dma_start3A_286 = tpu.memref_slice %arg19[%dma_start3A_285] : memref<320xi32, #tpu.memory_space<vmem>> -> memref<64xi32, #tpu.memory_space<vmem>>
      %dma_start3A_287 = arith.constant 0 : i32
      %dma_start3A_288 = arith.constant 0 : i32
      %dma_start3A_289 = tpu.memref_slice %arg5[%dma_start3A_287, %dma_start3A_288] : memref<320000x128xf32, #tpu.memory_space<hbm>> -> memref<320000x128xf32, #tpu.memory_space<hbm>>
      tpu.enqueue_indirect_dma source(%dma_start3A_289 : memref<320000x128xf32, #tpu.memory_space<hbm>>) target(%dma_start3A_284 : memref<64x128xf32, #tpu.memory_space<vmem>>) offsets(%dma_start3A_286 : memref<64xi32, #tpu.memory_space<vmem>>) semaphore(%arg21 : memref<!tpu.dma_semaphore, #tpu.memory_space<semaphore_mem>>)
      %dma_wait3A_290 = arith.constant 0 : i32
      %dma_wait3A_291 = arith.constant 0 : i32
      %dma_wait3A_292 = tpu.memref_slice %arg20[%dma_wait3A_290, %dma_wait3A_291] : memref<320x128xf32, #tpu.memory_space<vmem>> -> memref<128x128xf32, #tpu.memory_space<vmem>>
      %dma_wait3A_293 = arith.constant 0 : i32
      %dma_wait3A_294 = tpu.memref_slice %arg19[%dma_wait3A_293] : memref<320xi32, #tpu.memory_space<vmem>> -> memref<128xi32, #tpu.memory_space<vmem>>
      %dma_wait3A_295 = arith.constant 0 : i32
      %dma_wait3A_296 = arith.constant 0 : i32
      %dma_wait3A_297 = tpu.memref_slice %arg5[%dma_wait3A_295, %dma_wait3A_296] : memref<320000x128xf32, #tpu.memory_space<hbm>> -> memref<320000x128xf32, #tpu.memory_space<hbm>>
      tpu.wait_indirect_dma semaphore(%arg21 : memref<!tpu.dma_semaphore, #tpu.memory_space<semaphore_mem>>) src(%dma_wait3A_297 : memref<320000x128xf32, #tpu.memory_space<hbm>>) dst(%dma_wait3A_292 : memref<128x128xf32, #tpu.memory_space<vmem>>)
      %dma_wait3A_298 = arith.constant 128 : i32
      %dma_wait3A_299 = arith.constant 0 : i32
      %dma_wait3A_300 = tpu.memref_slice %arg20[%dma_wait3A_298, %dma_wait3A_299] : memref<320x128xf32, #tpu.memory_space<vmem>> -> memref<128x128xf32, #tpu.memory_space<vmem>>
      %dma_wait3A_301 = arith.constant 128 : i32
      %dma_wait3A_302 = tpu.memref_slice %arg19[%dma_wait3A_301] : memref<320xi32, #tpu.memory_space<vmem>> -> memref<128xi32, #tpu.memory_space<vmem>>
      %dma_wait3A_303 = arith.constant 0 : i32
      %dma_wait3A_304 = arith.constant 0 : i32
      %dma_wait3A_305 = tpu.memref_slice %arg5[%dma_wait3A_303, %dma_wait3A_304] : memref<320000x128xf32, #tpu.memory_space<hbm>> -> memref<320000x128xf32, #tpu.memory_space<hbm>>
      tpu.wait_indirect_dma semaphore(%arg21 : memref<!tpu.dma_semaphore, #tpu.memory_space<semaphore_mem>>) src(%dma_wait3A_305 : memref<320000x128xf32, #tpu.memory_space<hbm>>) dst(%dma_wait3A_300 : memref<128x128xf32, #tpu.memory_space<vmem>>)
      %dma_wait3A_306 = arith.constant 256 : i32
      %dma_wait3A_307 = arith.constant 0 : i32
      %dma_wait3A_308 = tpu.memref_slice %arg20[%dma_wait3A_306, %dma_wait3A_307] : memref<320x128xf32, #tpu.memory_space<vmem>> -> memref<64x128xf32, #tpu.memory_space<vmem>>
      %dma_wait3A_309 = arith.constant 256 : i32
      %dma_wait3A_310 = tpu.memref_slice %arg19[%dma_wait3A_309] : memref<320xi32, #tpu.memory_space<vmem>> -> memref<64xi32, #tpu.memory_space<vmem>>
      %dma_wait3A_311 = arith.constant 0 : i32
      %dma_wait3A_312 = arith.constant 0 : i32
      %dma_wait3A_313 = tpu.memref_slice %arg5[%dma_wait3A_311, %dma_wait3A_312] : memref<320000x128xf32, #tpu.memory_space<hbm>> -> memref<320000x128xf32, #tpu.memory_space<hbm>>
      tpu.wait_indirect_dma semaphore(%arg21 : memref<!tpu.dma_semaphore, #tpu.memory_space<semaphore_mem>>) src(%dma_wait3A_313 : memref<320000x128xf32, #tpu.memory_space<hbm>>) dst(%dma_wait3A_308 : memref<64x128xf32, #tpu.memory_space<vmem>>)
      %multiple_of3A_314 = tpu.assume_multiple %mul3A_2, 8 : i32
      "tpu.region"() ({
        %run_scoped3A = tpu.sem_alloc : memref<!tpu.dma_semaphore, #tpu.memory_space<semaphore_mem>>
        %dma_start3A_413 = arith.constant 0 : i32
        %dma_start3A_414 = tpu.memref_slice %arg10[%multiple_of3A_314, %dma_start3A_413] : memref<10000x128xf32, #tpu.memory_space<hbm>> -> memref<320x128xf32, #tpu.memory_space<hbm>>
        %dma_start3A_415 = arith.constant 0 : i32
        %dma_start3A_416 = tpu.memref_slice %arg10[%multiple_of3A_314, %dma_start3A_415] : memref<10000x128xf32, #tpu.memory_space<hbm>> -> memref<320x128xf32, #tpu.memory_space<hbm>>
        tpu.enqueue_dma source(%arg20 : memref<320x128xf32, #tpu.memory_space<vmem>>) target(%dma_start3A_416 : memref<320x128xf32, #tpu.memory_space<hbm>>) target_semaphore(%run_scoped3A : memref<!tpu.dma_semaphore, #tpu.memory_space<semaphore_mem>>)
        %dma_wait3A_417 = arith.constant 0 : i32
        %dma_wait3A_418 = tpu.memref_slice %arg10[%multiple_of3A_314, %dma_wait3A_417] : memref<10000x128xf32, #tpu.memory_space<hbm>> -> memref<320x128xf32, #tpu.memory_space<hbm>>
        %dma_wait3A_419 = arith.constant 0 : i32
        %dma_wait3A_420 = tpu.memref_slice %arg10[%multiple_of3A_314, %dma_wait3A_419] : memref<10000x128xf32, #tpu.memory_space<hbm>> -> memref<320x128xf32, #tpu.memory_space<hbm>>
        tpu.wait_dma2 semaphore(%run_scoped3A : memref<!tpu.dma_semaphore, #tpu.memory_space<semaphore_mem>>) src(%arg20 : memref<320x128xf32, #tpu.memory_space<vmem>>) dst(%dma_wait3A_420 : memref<320x128xf32, #tpu.memory_space<hbm>>)
        tpu.yield
      }) : () -> ()
      %dma_start3A_315 = arith.constant 0 : i32
      %dma_start3A_316 = arith.constant 0 : i32
      %dma_start3A_317 = tpu.memref_slice %arg20[%dma_start3A_315, %dma_start3A_316] : memref<320x128xf32, #tpu.memory_space<vmem>> -> memref<128x128xf32, #tpu.memory_space<vmem>>
      %dma_start3A_318 = arith.constant 0 : i32
      %dma_start3A_319 = tpu.memref_slice %arg19[%dma_start3A_318] : memref<320xi32, #tpu.memory_space<vmem>> -> memref<128xi32, #tpu.memory_space<vmem>>
      %dma_start3A_320 = arith.constant 0 : i32
      %dma_start3A_321 = arith.constant 0 : i32
      %dma_start3A_322 = tpu.memref_slice %arg6[%dma_start3A_320, %dma_start3A_321] : memref<320000x128xf32, #tpu.memory_space<hbm>> -> memref<320000x128xf32, #tpu.memory_space<hbm>>
      tpu.enqueue_indirect_dma source(%dma_start3A_322 : memref<320000x128xf32, #tpu.memory_space<hbm>>) target(%dma_start3A_317 : memref<128x128xf32, #tpu.memory_space<vmem>>) offsets(%dma_start3A_319 : memref<128xi32, #tpu.memory_space<vmem>>) semaphore(%arg21 : memref<!tpu.dma_semaphore, #tpu.memory_space<semaphore_mem>>)
      %dma_start3A_323 = arith.constant 128 : i32
      %dma_start3A_324 = arith.constant 0 : i32
      %dma_start3A_325 = tpu.memref_slice %arg20[%dma_start3A_323, %dma_start3A_324] : memref<320x128xf32, #tpu.memory_space<vmem>> -> memref<128x128xf32, #tpu.memory_space<vmem>>
      %dma_start3A_326 = arith.constant 128 : i32
      %dma_start3A_327 = tpu.memref_slice %arg19[%dma_start3A_326] : memref<320xi32, #tpu.memory_space<vmem>> -> memref<128xi32, #tpu.memory_space<vmem>>
      %dma_start3A_328 = arith.constant 0 : i32
      %dma_start3A_329 = arith.constant 0 : i32
      %dma_start3A_330 = tpu.memref_slice %arg6[%dma_start3A_328, %dma_start3A_329] : memref<320000x128xf32, #tpu.memory_space<hbm>> -> memref<320000x128xf32, #tpu.memory_space<hbm>>
      tpu.enqueue_indirect_dma source(%dma_start3A_330 : memref<320000x128xf32, #tpu.memory_space<hbm>>) target(%dma_start3A_325 : memref<128x128xf32, #tpu.memory_space<vmem>>) offsets(%dma_start3A_327 : memref<128xi32, #tpu.memory_space<vmem>>) semaphore(%arg21 : memref<!tpu.dma_semaphore, #tpu.memory_space<semaphore_mem>>)
      %dma_start3A_331 = arith.constant 256 : i32
      %dma_start3A_332 = arith.constant 0 : i32
      %dma_start3A_333 = tpu.memref_slice %arg20[%dma_start3A_331, %dma_start3A_332] : memref<320x128xf32, #tpu.memory_space<vmem>> -> memref<64x128xf32, #tpu.memory_space<vmem>>
      %dma_start3A_334 = arith.constant 256 : i32
      %dma_start3A_335 = tpu.memref_slice %arg19[%dma_start3A_334] : memref<320xi32, #tpu.memory_space<vmem>> -> memref<64xi32, #tpu.memory_space<vmem>>
      %dma_start3A_336 = arith.constant 0 : i32
      %dma_start3A_337 = arith.constant 0 : i32
      %dma_start3A_338 = tpu.memref_slice %arg6[%dma_start3A_336, %dma_start3A_337] : memref<320000x128xf32, #tpu.memory_space<hbm>> -> memref<320000x128xf32, #tpu.memory_space<hbm>>
      tpu.enqueue_indirect_dma source(%dma_start3A_338 : memref<320000x128xf32, #tpu.memory_space<hbm>>) target(%dma_start3A_333 : memref<64x128xf32, #tpu.memory_space<vmem>>) offsets(%dma_start3A_335 : memref<64xi32, #tpu.memory_space<vmem>>) semaphore(%arg21 : memref<!tpu.dma_semaphore, #tpu.memory_space<semaphore_mem>>)
      %dma_wait3A_339 = arith.constant 0 : i32
      %dma_wait3A_340 = arith.constant 0 : i32
      %dma_wait3A_341 = tpu.memref_slice %arg20[%dma_wait3A_339, %dma_wait3A_340] : memref<320x128xf32, #tpu.memory_space<vmem>> -> memref<128x128xf32, #tpu.memory_space<vmem>>
      %dma_wait3A_342 = arith.constant 0 : i32
      %dma_wait3A_343 = tpu.memref_slice %arg19[%dma_wait3A_342] : memref<320xi32, #tpu.memory_space<vmem>> -> memref<128xi32, #tpu.memory_space<vmem>>
      %dma_wait3A_344 = arith.constant 0 : i32
      %dma_wait3A_345 = arith.constant 0 : i32
      %dma_wait3A_346 = tpu.memref_slice %arg6[%dma_wait3A_344, %dma_wait3A_345] : memref<320000x128xf32, #tpu.memory_space<hbm>> -> memref<320000x128xf32, #tpu.memory_space<hbm>>
      tpu.wait_indirect_dma semaphore(%arg21 : memref<!tpu.dma_semaphore, #tpu.memory_space<semaphore_mem>>) src(%dma_wait3A_346 : memref<320000x128xf32, #tpu.memory_space<hbm>>) dst(%dma_wait3A_341 : memref<128x128xf32, #tpu.memory_space<vmem>>)
      %dma_wait3A_347 = arith.constant 128 : i32
      %dma_wait3A_348 = arith.constant 0 : i32
      %dma_wait3A_349 = tpu.memref_slice %arg20[%dma_wait3A_347, %dma_wait3A_348] : memref<320x128xf32, #tpu.memory_space<vmem>> -> memref<128x128xf32, #tpu.memory_space<vmem>>
      %dma_wait3A_350 = arith.constant 128 : i32
      %dma_wait3A_351 = tpu.memref_slice %arg19[%dma_wait3A_350] : memref<320xi32, #tpu.memory_space<vmem>> -> memref<128xi32, #tpu.memory_space<vmem>>
      %dma_wait3A_352 = arith.constant 0 : i32
      %dma_wait3A_353 = arith.constant 0 : i32
      %dma_wait3A_354 = tpu.memref_slice %arg6[%dma_wait3A_352, %dma_wait3A_353] : memref<320000x128xf32, #tpu.memory_space<hbm>> -> memref<320000x128xf32, #tpu.memory_space<hbm>>
      tpu.wait_indirect_dma semaphore(%arg21 : memref<!tpu.dma_semaphore, #tpu.memory_space<semaphore_mem>>) src(%dma_wait3A_354 : memref<320000x128xf32, #tpu.memory_space<hbm>>) dst(%dma_wait3A_349 : memref<128x128xf32, #tpu.memory_space<vmem>>)
      %dma_wait3A_355 = arith.constant 256 : i32
      %dma_wait3A_356 = arith.constant 0 : i32
      %dma_wait3A_357 = tpu.memref_slice %arg20[%dma_wait3A_355, %dma_wait3A_356] : memref<320x128xf32, #tpu.memory_space<vmem>> -> memref<64x128xf32, #tpu.memory_space<vmem>>
      %dma_wait3A_358 = arith.constant 256 : i32
      %dma_wait3A_359 = tpu.memref_slice %arg19[%dma_wait3A_358] : memref<320xi32, #tpu.memory_space<vmem>> -> memref<64xi32, #tpu.memory_space<vmem>>
      %dma_wait3A_360 = arith.constant 0 : i32
      %dma_wait3A_361 = arith.constant 0 : i32
      %dma_wait3A_362 = tpu.memref_slice %arg6[%dma_wait3A_360, %dma_wait3A_361] : memref<320000x128xf32, #tpu.memory_space<hbm>> -> memref<320000x128xf32, #tpu.memory_space<hbm>>
      tpu.wait_indirect_dma semaphore(%arg21 : memref<!tpu.dma_semaphore, #tpu.memory_space<semaphore_mem>>) src(%dma_wait3A_362 : memref<320000x128xf32, #tpu.memory_space<hbm>>) dst(%dma_wait3A_357 : memref<64x128xf32, #tpu.memory_space<vmem>>)
      %multiple_of3A_363 = tpu.assume_multiple %mul3A_2, 8 : i32
      "tpu.region"() ({
        %run_scoped3A = tpu.sem_alloc : memref<!tpu.dma_semaphore, #tpu.memory_space<semaphore_mem>>
        %dma_start3A_413 = arith.constant 0 : i32
        %dma_start3A_414 = tpu.memref_slice %arg11[%multiple_of3A_363, %dma_start3A_413] : memref<10000x128xf32, #tpu.memory_space<hbm>> -> memref<320x128xf32, #tpu.memory_space<hbm>>
        %dma_start3A_415 = arith.constant 0 : i32
        %dma_start3A_416 = tpu.memref_slice %arg11[%multiple_of3A_363, %dma_start3A_415] : memref<10000x128xf32, #tpu.memory_space<hbm>> -> memref<320x128xf32, #tpu.memory_space<hbm>>
        tpu.enqueue_dma source(%arg20 : memref<320x128xf32, #tpu.memory_space<vmem>>) target(%dma_start3A_416 : memref<320x128xf32, #tpu.memory_space<hbm>>) target_semaphore(%run_scoped3A : memref<!tpu.dma_semaphore, #tpu.memory_space<semaphore_mem>>)
        %dma_wait3A_417 = arith.constant 0 : i32
        %dma_wait3A_418 = tpu.memref_slice %arg11[%multiple_of3A_363, %dma_wait3A_417] : memref<10000x128xf32, #tpu.memory_space<hbm>> -> memref<320x128xf32, #tpu.memory_space<hbm>>
        %dma_wait3A_419 = arith.constant 0 : i32
        %dma_wait3A_420 = tpu.memref_slice %arg11[%multiple_of3A_363, %dma_wait3A_419] : memref<10000x128xf32, #tpu.memory_space<hbm>> -> memref<320x128xf32, #tpu.memory_space<hbm>>
        tpu.wait_dma2 semaphore(%run_scoped3A : memref<!tpu.dma_semaphore, #tpu.memory_space<semaphore_mem>>) src(%arg20 : memref<320x128xf32, #tpu.memory_space<vmem>>) dst(%dma_wait3A_420 : memref<320x128xf32, #tpu.memory_space<hbm>>)
        tpu.yield
      }) : () -> ()
      %dma_start3A_364 = arith.constant 0 : i32
      %dma_start3A_365 = arith.constant 0 : i32
      %dma_start3A_366 = tpu.memref_slice %arg20[%dma_start3A_364, %dma_start3A_365] : memref<320x128xf32, #tpu.memory_space<vmem>> -> memref<128x128xf32, #tpu.memory_space<vmem>>
      %dma_start3A_367 = arith.constant 0 : i32
      %dma_start3A_368 = tpu.memref_slice %arg19[%dma_start3A_367] : memref<320xi32, #tpu.memory_space<vmem>> -> memref<128xi32, #tpu.memory_space<vmem>>
      %dma_start3A_369 = arith.constant 0 : i32
      %dma_start3A_370 = arith.constant 0 : i32
      %dma_start3A_371 = tpu.memref_slice %arg7[%dma_start3A_369, %dma_start3A_370] : memref<320000x128xf32, #tpu.memory_space<hbm>> -> memref<320000x128xf32, #tpu.memory_space<hbm>>
      tpu.enqueue_indirect_dma source(%dma_start3A_371 : memref<320000x128xf32, #tpu.memory_space<hbm>>) target(%dma_start3A_366 : memref<128x128xf32, #tpu.memory_space<vmem>>) offsets(%dma_start3A_368 : memref<128xi32, #tpu.memory_space<vmem>>) semaphore(%arg21 : memref<!tpu.dma_semaphore, #tpu.memory_space<semaphore_mem>>)
      %dma_start3A_372 = arith.constant 128 : i32
      %dma_start3A_373 = arith.constant 0 : i32
      %dma_start3A_374 = tpu.memref_slice %arg20[%dma_start3A_372, %dma_start3A_373] : memref<320x128xf32, #tpu.memory_space<vmem>> -> memref<128x128xf32, #tpu.memory_space<vmem>>
      %dma_start3A_375 = arith.constant 128 : i32
      %dma_start3A_376 = tpu.memref_slice %arg19[%dma_start3A_375] : memref<320xi32, #tpu.memory_space<vmem>> -> memref<128xi32, #tpu.memory_space<vmem>>
      %dma_start3A_377 = arith.constant 0 : i32
      %dma_start3A_378 = arith.constant 0 : i32
      %dma_start3A_379 = tpu.memref_slice %arg7[%dma_start3A_377, %dma_start3A_378] : memref<320000x128xf32, #tpu.memory_space<hbm>> -> memref<320000x128xf32, #tpu.memory_space<hbm>>
      tpu.enqueue_indirect_dma source(%dma_start3A_379 : memref<320000x128xf32, #tpu.memory_space<hbm>>) target(%dma_start3A_374 : memref<128x128xf32, #tpu.memory_space<vmem>>) offsets(%dma_start3A_376 : memref<128xi32, #tpu.memory_space<vmem>>) semaphore(%arg21 : memref<!tpu.dma_semaphore, #tpu.memory_space<semaphore_mem>>)
      %dma_start3A_380 = arith.constant 256 : i32
      %dma_start3A_381 = arith.constant 0 : i32
      %dma_start3A_382 = tpu.memref_slice %arg20[%dma_start3A_380, %dma_start3A_381] : memref<320x128xf32, #tpu.memory_space<vmem>> -> memref<64x128xf32, #tpu.memory_space<vmem>>
      %dma_start3A_383 = arith.constant 256 : i32
      %dma_start3A_384 = tpu.memref_slice %arg19[%dma_start3A_383] : memref<320xi32, #tpu.memory_space<vmem>> -> memref<64xi32, #tpu.memory_space<vmem>>
      %dma_start3A_385 = arith.constant 0 : i32
      %dma_start3A_386 = arith.constant 0 : i32
      %dma_start3A_387 = tpu.memref_slice %arg7[%dma_start3A_385, %dma_start3A_386] : memref<320000x128xf32, #tpu.memory_space<hbm>> -> memref<320000x128xf32, #tpu.memory_space<hbm>>
      tpu.enqueue_indirect_dma source(%dma_start3A_387 : memref<320000x128xf32, #tpu.memory_space<hbm>>) target(%dma_start3A_382 : memref<64x128xf32, #tpu.memory_space<vmem>>) offsets(%dma_start3A_384 : memref<64xi32, #tpu.memory_space<vmem>>) semaphore(%arg21 : memref<!tpu.dma_semaphore, #tpu.memory_space<semaphore_mem>>)
      %dma_wait3A_388 = arith.constant 0 : i32
      %dma_wait3A_389 = arith.constant 0 : i32
      %dma_wait3A_390 = tpu.memref_slice %arg20[%dma_wait3A_388, %dma_wait3A_389] : memref<320x128xf32, #tpu.memory_space<vmem>> -> memref<128x128xf32, #tpu.memory_space<vmem>>
      %dma_wait3A_391 = arith.constant 0 : i32
      %dma_wait3A_392 = tpu.memref_slice %arg19[%dma_wait3A_391] : memref<320xi32, #tpu.memory_space<vmem>> -> memref<128xi32, #tpu.memory_space<vmem>>
      %dma_wait3A_393 = arith.constant 0 : i32
      %dma_wait3A_394 = arith.constant 0 : i32
      %dma_wait3A_395 = tpu.memref_slice %arg7[%dma_wait3A_393, %dma_wait3A_394] : memref<320000x128xf32, #tpu.memory_space<hbm>> -> memref<320000x128xf32, #tpu.memory_space<hbm>>
      tpu.wait_indirect_dma semaphore(%arg21 : memref<!tpu.dma_semaphore, #tpu.memory_space<semaphore_mem>>) src(%dma_wait3A_395 : memref<320000x128xf32, #tpu.memory_space<hbm>>) dst(%dma_wait3A_390 : memref<128x128xf32, #tpu.memory_space<vmem>>)
      %dma_wait3A_396 = arith.constant 128 : i32
      %dma_wait3A_397 = arith.constant 0 : i32
      %dma_wait3A_398 = tpu.memref_slice %arg20[%dma_wait3A_396, %dma_wait3A_397] : memref<320x128xf32, #tpu.memory_space<vmem>> -> memref<128x128xf32, #tpu.memory_space<vmem>>
      %dma_wait3A_399 = arith.constant 128 : i32
      %dma_wait3A_400 = tpu.memref_slice %arg19[%dma_wait3A_399] : memref<320xi32, #tpu.memory_space<vmem>> -> memref<128xi32, #tpu.memory_space<vmem>>
      %dma_wait3A_401 = arith.constant 0 : i32
      %dma_wait3A_402 = arith.constant 0 : i32
      %dma_wait3A_403 = tpu.memref_slice %arg7[%dma_wait3A_401, %dma_wait3A_402] : memref<320000x128xf32, #tpu.memory_space<hbm>> -> memref<320000x128xf32, #tpu.memory_space<hbm>>
      tpu.wait_indirect_dma semaphore(%arg21 : memref<!tpu.dma_semaphore, #tpu.memory_space<semaphore_mem>>) src(%dma_wait3A_403 : memref<320000x128xf32, #tpu.memory_space<hbm>>) dst(%dma_wait3A_398 : memref<128x128xf32, #tpu.memory_space<vmem>>)
      %dma_wait3A_404 = arith.constant 256 : i32
      %dma_wait3A_405 = arith.constant 0 : i32
      %dma_wait3A_406 = tpu.memref_slice %arg20[%dma_wait3A_404, %dma_wait3A_405] : memref<320x128xf32, #tpu.memory_space<vmem>> -> memref<64x128xf32, #tpu.memory_space<vmem>>
      %dma_wait3A_407 = arith.constant 256 : i32
      %dma_wait3A_408 = tpu.memref_slice %arg19[%dma_wait3A_407] : memref<320xi32, #tpu.memory_space<vmem>> -> memref<64xi32, #tpu.memory_space<vmem>>
      %dma_wait3A_409 = arith.constant 0 : i32
      %dma_wait3A_410 = arith.constant 0 : i32
      %dma_wait3A_411 = tpu.memref_slice %arg7[%dma_wait3A_409, %dma_wait3A_410] : memref<320000x128xf32, #tpu.memory_space<hbm>> -> memref<320000x128xf32, #tpu.memory_space<hbm>>
      tpu.wait_indirect_dma semaphore(%arg21 : memref<!tpu.dma_semaphore, #tpu.memory_space<semaphore_mem>>) src(%dma_wait3A_411 : memref<320000x128xf32, #tpu.memory_space<hbm>>) dst(%dma_wait3A_406 : memref<64x128xf32, #tpu.memory_space<vmem>>)
      %multiple_of3A_412 = tpu.assume_multiple %mul3A_2, 8 : i32
      "tpu.region"() ({
        %run_scoped3A = tpu.sem_alloc : memref<!tpu.dma_semaphore, #tpu.memory_space<semaphore_mem>>
        %dma_start3A_413 = arith.constant 0 : i32
        %dma_start3A_414 = tpu.memref_slice %arg12[%multiple_of3A_412, %dma_start3A_413] : memref<10000x128xf32, #tpu.memory_space<hbm>> -> memref<320x128xf32, #tpu.memory_space<hbm>>
        %dma_start3A_415 = arith.constant 0 : i32
        %dma_start3A_416 = tpu.memref_slice %arg12[%multiple_of3A_412, %dma_start3A_415] : memref<10000x128xf32, #tpu.memory_space<hbm>> -> memref<320x128xf32, #tpu.memory_space<hbm>>
        tpu.enqueue_dma source(%arg20 : memref<320x128xf32, #tpu.memory_space<vmem>>) target(%dma_start3A_416 : memref<320x128xf32, #tpu.memory_space<hbm>>) target_semaphore(%run_scoped3A : memref<!tpu.dma_semaphore, #tpu.memory_space<semaphore_mem>>)
        %dma_wait3A_417 = arith.constant 0 : i32
        %dma_wait3A_418 = tpu.memref_slice %arg12[%multiple_of3A_412, %dma_wait3A_417] : memref<10000x128xf32, #tpu.memory_space<hbm>> -> memref<320x128xf32, #tpu.memory_space<hbm>>
        %dma_wait3A_419 = arith.constant 0 : i32
        %dma_wait3A_420 = tpu.memref_slice %arg12[%multiple_of3A_412, %dma_wait3A_419] : memref<10000x128xf32, #tpu.memory_space<hbm>> -> memref<320x128xf32, #tpu.memory_space<hbm>>
        tpu.wait_dma2 semaphore(%run_scoped3A : memref<!tpu.dma_semaphore, #tpu.memory_space<semaphore_mem>>) src(%arg20 : memref<320x128xf32, #tpu.memory_space<vmem>>) dst(%dma_wait3A_420 : memref<320x128xf32, #tpu.memory_space<hbm>>)
        tpu.yield
      }) : () -> ()
    } else {
    }
    %eq3A_211 = arith.constant 31 : i32
    %eq3A_212 = arith.cmpi eq, %add3A, %eq3A_211 : i32
    %convert_element_type3A_213 = arith.extui %eq3A_212 : i1 to i32
    %cond3A_214 = arith.constant 0 : i32
    %cond3A_215 = arith.cmpi ne, %convert_element_type3A_213, %cond3A_214 : i32
    scf.if %cond3A_215 {
      %multiple_of3A_216 = arith.constant 9920 : i32
      %multiple_of3A_217 = tpu.assume_multiple %multiple_of3A_216, 8 : i32
      "tpu.region"() ({
        %run_scoped3A = tpu.sem_alloc : memref<!tpu.dma_semaphore, #tpu.memory_space<semaphore_mem>>
        %dma_start3A_290 = arith.constant 0 : i32
        %dma_start3A_291 = tpu.memref_slice %arg18[%dma_start3A_290] : memref<320xf32, #tpu.memory_space<vmem>> -> memref<80xf32, #tpu.memory_space<vmem>>
        %dma_start3A_292 = tpu.memref_slice %arg8[%multiple_of3A_217] : memref<10000xf32, #tpu.memory_space<hbm>> -> memref<80xf32, #tpu.memory_space<hbm>>
        %dma_start3A_293 = tpu.memref_slice %arg8[%multiple_of3A_217] : memref<10000xf32, #tpu.memory_space<hbm>> -> memref<80xf32, #tpu.memory_space<hbm>>
        %dma_start3A_294 = arith.constant 0 : i32
        %dma_start3A_295 = tpu.memref_slice %arg18[%dma_start3A_294] : memref<320xf32, #tpu.memory_space<vmem>> -> memref<80xf32, #tpu.memory_space<vmem>>
        tpu.enqueue_dma source(%dma_start3A_295 : memref<80xf32, #tpu.memory_space<vmem>>) target(%dma_start3A_293 : memref<80xf32, #tpu.memory_space<hbm>>) target_semaphore(%run_scoped3A : memref<!tpu.dma_semaphore, #tpu.memory_space<semaphore_mem>>)
        %dma_wait3A_296 = arith.constant 0 : i32
        %dma_wait3A_297 = tpu.memref_slice %arg18[%dma_wait3A_296] : memref<320xf32, #tpu.memory_space<vmem>> -> memref<80xf32, #tpu.memory_space<vmem>>
        %dma_wait3A_298 = tpu.memref_slice %arg8[%multiple_of3A_217] : memref<10000xf32, #tpu.memory_space<hbm>> -> memref<80xf32, #tpu.memory_space<hbm>>
        %dma_wait3A_299 = tpu.memref_slice %arg8[%multiple_of3A_217] : memref<10000xf32, #tpu.memory_space<hbm>> -> memref<80xf32, #tpu.memory_space<hbm>>
        %dma_wait3A_300 = arith.constant 0 : i32
        %dma_wait3A_301 = tpu.memref_slice %arg18[%dma_wait3A_300] : memref<320xf32, #tpu.memory_space<vmem>> -> memref<80xf32, #tpu.memory_space<vmem>>
        tpu.wait_dma2 semaphore(%run_scoped3A : memref<!tpu.dma_semaphore, #tpu.memory_space<semaphore_mem>>) src(%dma_wait3A_301 : memref<80xf32, #tpu.memory_space<vmem>>) dst(%dma_wait3A_299 : memref<80xf32, #tpu.memory_space<hbm>>)
        tpu.yield
      }) : () -> ()
      %dma_start3A_218 = arith.constant 0 : i32
      %dma_start3A_219 = arith.constant 0 : i32
      %dma_start3A_220 = tpu.memref_slice %arg20[%dma_start3A_218, %dma_start3A_219] : memref<320x128xf32, #tpu.memory_space<vmem>> -> memref<80x128xf32, #tpu.memory_space<vmem>>
      %dma_start3A_221 = arith.constant 0 : i32
      %dma_start3A_222 = tpu.memref_slice %arg19[%dma_start3A_221] : memref<320xi32, #tpu.memory_space<vmem>> -> memref<80xi32, #tpu.memory_space<vmem>>
      %dma_start3A_223 = arith.constant 0 : i32
      %dma_start3A_224 = arith.constant 0 : i32
      %dma_start3A_225 = tpu.memref_slice %arg4[%dma_start3A_223, %dma_start3A_224] : memref<320000x128xf32, #tpu.memory_space<hbm>> -> memref<320000x128xf32, #tpu.memory_space<hbm>>
      tpu.enqueue_indirect_dma source(%dma_start3A_225 : memref<320000x128xf32, #tpu.memory_space<hbm>>) target(%dma_start3A_220 : memref<80x128xf32, #tpu.memory_space<vmem>>) offsets(%dma_start3A_222 : memref<80xi32, #tpu.memory_space<vmem>>) semaphore(%arg21 : memref<!tpu.dma_semaphore, #tpu.memory_space<semaphore_mem>>)
      %dma_wait3A_226 = arith.constant 0 : i32
      %dma_wait3A_227 = arith.constant 0 : i32
      %dma_wait3A_228 = tpu.memref_slice %arg20[%dma_wait3A_226, %dma_wait3A_227] : memref<320x128xf32, #tpu.memory_space<vmem>> -> memref<80x128xf32, #tpu.memory_space<vmem>>
      %dma_wait3A_229 = arith.constant 0 : i32
      %dma_wait3A_230 = tpu.memref_slice %arg19[%dma_wait3A_229] : memref<320xi32, #tpu.memory_space<vmem>> -> memref<80xi32, #tpu.memory_space<vmem>>
      %dma_wait3A_231 = arith.constant 0 : i32
      %dma_wait3A_232 = arith.constant 0 : i32
      %dma_wait3A_233 = tpu.memref_slice %arg4[%dma_wait3A_231, %dma_wait3A_232] : memref<320000x128xf32, #tpu.memory_space<hbm>> -> memref<320000x128xf32, #tpu.memory_space<hbm>>
      tpu.wait_indirect_dma semaphore(%arg21 : memref<!tpu.dma_semaphore, #tpu.memory_space<semaphore_mem>>) src(%dma_wait3A_233 : memref<320000x128xf32, #tpu.memory_space<hbm>>) dst(%dma_wait3A_228 : memref<80x128xf32, #tpu.memory_space<vmem>>)
      %multiple_of3A_234 = arith.constant 9920 : i32
      %multiple_of3A_235 = tpu.assume_multiple %multiple_of3A_234, 8 : i32
      "tpu.region"() ({
        %run_scoped3A = tpu.sem_alloc : memref<!tpu.dma_semaphore, #tpu.memory_space<semaphore_mem>>
        %dma_start3A_290 = arith.constant 0 : i32
        %dma_start3A_291 = arith.constant 0 : i32
        %dma_start3A_292 = tpu.memref_slice %arg20[%dma_start3A_290, %dma_start3A_291] : memref<320x128xf32, #tpu.memory_space<vmem>> -> memref<80x128xf32, #tpu.memory_space<vmem>>
        %dma_start3A_293 = arith.constant 0 : i32
        %dma_start3A_294 = tpu.memref_slice %arg9[%multiple_of3A_235, %dma_start3A_293] : memref<10000x128xf32, #tpu.memory_space<hbm>> -> memref<80x128xf32, #tpu.memory_space<hbm>>
        %dma_start3A_295 = arith.constant 0 : i32
        %dma_start3A_296 = tpu.memref_slice %arg9[%multiple_of3A_235, %dma_start3A_295] : memref<10000x128xf32, #tpu.memory_space<hbm>> -> memref<80x128xf32, #tpu.memory_space<hbm>>
        %dma_start3A_297 = arith.constant 0 : i32
        %dma_start3A_298 = arith.constant 0 : i32
        %dma_start3A_299 = tpu.memref_slice %arg20[%dma_start3A_297, %dma_start3A_298] : memref<320x128xf32, #tpu.memory_space<vmem>> -> memref<80x128xf32, #tpu.memory_space<vmem>>
        tpu.enqueue_dma source(%dma_start3A_299 : memref<80x128xf32, #tpu.memory_space<vmem>>) target(%dma_start3A_296 : memref<80x128xf32, #tpu.memory_space<hbm>>) target_semaphore(%run_scoped3A : memref<!tpu.dma_semaphore, #tpu.memory_space<semaphore_mem>>)
        %dma_wait3A_300 = arith.constant 0 : i32
        %dma_wait3A_301 = arith.constant 0 : i32
        %dma_wait3A_302 = tpu.memref_slice %arg20[%dma_wait3A_300, %dma_wait3A_301] : memref<320x128xf32, #tpu.memory_space<vmem>> -> memref<80x128xf32, #tpu.memory_space<vmem>>
        %dma_wait3A_303 = arith.constant 0 : i32
        %dma_wait3A_304 = tpu.memref_slice %arg9[%multiple_of3A_235, %dma_wait3A_303] : memref<10000x128xf32, #tpu.memory_space<hbm>> -> memref<80x128xf32, #tpu.memory_space<hbm>>
        %dma_wait3A_305 = arith.constant 0 : i32
        %dma_wait3A_306 = tpu.memref_slice %arg9[%multiple_of3A_235, %dma_wait3A_305] : memref<10000x128xf32, #tpu.memory_space<hbm>> -> memref<80x128xf32, #tpu.memory_space<hbm>>
        %dma_wait3A_307 = arith.constant 0 : i32
        %dma_wait3A_308 = arith.constant 0 : i32
        %dma_wait3A_309 = tpu.memref_slice %arg20[%dma_wait3A_307, %dma_wait3A_308] : memref<320x128xf32, #tpu.memory_space<vmem>> -> memref<80x128xf32, #tpu.memory_space<vmem>>
        tpu.wait_dma2 semaphore(%run_scoped3A : memref<!tpu.dma_semaphore, #tpu.memory_space<semaphore_mem>>) src(%dma_wait3A_309 : memref<80x128xf32, #tpu.memory_space<vmem>>) dst(%dma_wait3A_306 : memref<80x128xf32, #tpu.memory_space<hbm>>)
        tpu.yield
      }) : () -> ()
      %dma_start3A_236 = arith.constant 0 : i32
      %dma_start3A_237 = arith.constant 0 : i32
      %dma_start3A_238 = tpu.memref_slice %arg20[%dma_start3A_236, %dma_start3A_237] : memref<320x128xf32, #tpu.memory_space<vmem>> -> memref<80x128xf32, #tpu.memory_space<vmem>>
      %dma_start3A_239 = arith.constant 0 : i32
      %dma_start3A_240 = tpu.memref_slice %arg19[%dma_start3A_239] : memref<320xi32, #tpu.memory_space<vmem>> -> memref<80xi32, #tpu.memory_space<vmem>>
      %dma_start3A_241 = arith.constant 0 : i32
      %dma_start3A_242 = arith.constant 0 : i32
      %dma_start3A_243 = tpu.memref_slice %arg5[%dma_start3A_241, %dma_start3A_242] : memref<320000x128xf32, #tpu.memory_space<hbm>> -> memref<320000x128xf32, #tpu.memory_space<hbm>>
      tpu.enqueue_indirect_dma source(%dma_start3A_243 : memref<320000x128xf32, #tpu.memory_space<hbm>>) target(%dma_start3A_238 : memref<80x128xf32, #tpu.memory_space<vmem>>) offsets(%dma_start3A_240 : memref<80xi32, #tpu.memory_space<vmem>>) semaphore(%arg21 : memref<!tpu.dma_semaphore, #tpu.memory_space<semaphore_mem>>)
      %dma_wait3A_244 = arith.constant 0 : i32
      %dma_wait3A_245 = arith.constant 0 : i32
      %dma_wait3A_246 = tpu.memref_slice %arg20[%dma_wait3A_244, %dma_wait3A_245] : memref<320x128xf32, #tpu.memory_space<vmem>> -> memref<80x128xf32, #tpu.memory_space<vmem>>
      %dma_wait3A_247 = arith.constant 0 : i32
      %dma_wait3A_248 = tpu.memref_slice %arg19[%dma_wait3A_247] : memref<320xi32, #tpu.memory_space<vmem>> -> memref<80xi32, #tpu.memory_space<vmem>>
      %dma_wait3A_249 = arith.constant 0 : i32
      %dma_wait3A_250 = arith.constant 0 : i32
      %dma_wait3A_251 = tpu.memref_slice %arg5[%dma_wait3A_249, %dma_wait3A_250] : memref<320000x128xf32, #tpu.memory_space<hbm>> -> memref<320000x128xf32, #tpu.memory_space<hbm>>
      tpu.wait_indirect_dma semaphore(%arg21 : memref<!tpu.dma_semaphore, #tpu.memory_space<semaphore_mem>>) src(%dma_wait3A_251 : memref<320000x128xf32, #tpu.memory_space<hbm>>) dst(%dma_wait3A_246 : memref<80x128xf32, #tpu.memory_space<vmem>>)
      %multiple_of3A_252 = arith.constant 9920 : i32
      %multiple_of3A_253 = tpu.assume_multiple %multiple_of3A_252, 8 : i32
      "tpu.region"() ({
        %run_scoped3A = tpu.sem_alloc : memref<!tpu.dma_semaphore, #tpu.memory_space<semaphore_mem>>
        %dma_start3A_290 = arith.constant 0 : i32
        %dma_start3A_291 = arith.constant 0 : i32
        %dma_start3A_292 = tpu.memref_slice %arg20[%dma_start3A_290, %dma_start3A_291] : memref<320x128xf32, #tpu.memory_space<vmem>> -> memref<80x128xf32, #tpu.memory_space<vmem>>
        %dma_start3A_293 = arith.constant 0 : i32
        %dma_start3A_294 = tpu.memref_slice %arg10[%multiple_of3A_253, %dma_start3A_293] : memref<10000x128xf32, #tpu.memory_space<hbm>> -> memref<80x128xf32, #tpu.memory_space<hbm>>
        %dma_start3A_295 = arith.constant 0 : i32
        %dma_start3A_296 = tpu.memref_slice %arg10[%multiple_of3A_253, %dma_start3A_295] : memref<10000x128xf32, #tpu.memory_space<hbm>> -> memref<80x128xf32, #tpu.memory_space<hbm>>
        %dma_start3A_297 = arith.constant 0 : i32
        %dma_start3A_298 = arith.constant 0 : i32
        %dma_start3A_299 = tpu.memref_slice %arg20[%dma_start3A_297, %dma_start3A_298] : memref<320x128xf32, #tpu.memory_space<vmem>> -> memref<80x128xf32, #tpu.memory_space<vmem>>
        tpu.enqueue_dma source(%dma_start3A_299 : memref<80x128xf32, #tpu.memory_space<vmem>>) target(%dma_start3A_296 : memref<80x128xf32, #tpu.memory_space<hbm>>) target_semaphore(%run_scoped3A : memref<!tpu.dma_semaphore, #tpu.memory_space<semaphore_mem>>)
        %dma_wait3A_300 = arith.constant 0 : i32
        %dma_wait3A_301 = arith.constant 0 : i32
        %dma_wait3A_302 = tpu.memref_slice %arg20[%dma_wait3A_300, %dma_wait3A_301] : memref<320x128xf32, #tpu.memory_space<vmem>> -> memref<80x128xf32, #tpu.memory_space<vmem>>
        %dma_wait3A_303 = arith.constant 0 : i32
        %dma_wait3A_304 = tpu.memref_slice %arg10[%multiple_of3A_253, %dma_wait3A_303] : memref<10000x128xf32, #tpu.memory_space<hbm>> -> memref<80x128xf32, #tpu.memory_space<hbm>>
        %dma_wait3A_305 = arith.constant 0 : i32
        %dma_wait3A_306 = tpu.memref_slice %arg10[%multiple_of3A_253, %dma_wait3A_305] : memref<10000x128xf32, #tpu.memory_space<hbm>> -> memref<80x128xf32, #tpu.memory_space<hbm>>
        %dma_wait3A_307 = arith.constant 0 : i32
        %dma_wait3A_308 = arith.constant 0 : i32
        %dma_wait3A_309 = tpu.memref_slice %arg20[%dma_wait3A_307, %dma_wait3A_308] : memref<320x128xf32, #tpu.memory_space<vmem>> -> memref<80x128xf32, #tpu.memory_space<vmem>>
        tpu.wait_dma2 semaphore(%run_scoped3A : memref<!tpu.dma_semaphore, #tpu.memory_space<semaphore_mem>>) src(%dma_wait3A_309 : memref<80x128xf32, #tpu.memory_space<vmem>>) dst(%dma_wait3A_306 : memref<80x128xf32, #tpu.memory_space<hbm>>)
        tpu.yield
      }) : () -> ()
      %dma_start3A_254 = arith.constant 0 : i32
      %dma_start3A_255 = arith.constant 0 : i32
      %dma_start3A_256 = tpu.memref_slice %arg20[%dma_start3A_254, %dma_start3A_255] : memref<320x128xf32, #tpu.memory_space<vmem>> -> memref<80x128xf32, #tpu.memory_space<vmem>>
      %dma_start3A_257 = arith.constant 0 : i32
      %dma_start3A_258 = tpu.memref_slice %arg19[%dma_start3A_257] : memref<320xi32, #tpu.memory_space<vmem>> -> memref<80xi32, #tpu.memory_space<vmem>>
      %dma_start3A_259 = arith.constant 0 : i32
      %dma_start3A_260 = arith.constant 0 : i32
      %dma_start3A_261 = tpu.memref_slice %arg6[%dma_start3A_259, %dma_start3A_260] : memref<320000x128xf32, #tpu.memory_space<hbm>> -> memref<320000x128xf32, #tpu.memory_space<hbm>>
      tpu.enqueue_indirect_dma source(%dma_start3A_261 : memref<320000x128xf32, #tpu.memory_space<hbm>>) target(%dma_start3A_256 : memref<80x128xf32, #tpu.memory_space<vmem>>) offsets(%dma_start3A_258 : memref<80xi32, #tpu.memory_space<vmem>>) semaphore(%arg21 : memref<!tpu.dma_semaphore, #tpu.memory_space<semaphore_mem>>)
      %dma_wait3A_262 = arith.constant 0 : i32
      %dma_wait3A_263 = arith.constant 0 : i32
      %dma_wait3A_264 = tpu.memref_slice %arg20[%dma_wait3A_262, %dma_wait3A_263] : memref<320x128xf32, #tpu.memory_space<vmem>> -> memref<80x128xf32, #tpu.memory_space<vmem>>
      %dma_wait3A_265 = arith.constant 0 : i32
      %dma_wait3A_266 = tpu.memref_slice %arg19[%dma_wait3A_265] : memref<320xi32, #tpu.memory_space<vmem>> -> memref<80xi32, #tpu.memory_space<vmem>>
      %dma_wait3A_267 = arith.constant 0 : i32
      %dma_wait3A_268 = arith.constant 0 : i32
      %dma_wait3A_269 = tpu.memref_slice %arg6[%dma_wait3A_267, %dma_wait3A_268] : memref<320000x128xf32, #tpu.memory_space<hbm>> -> memref<320000x128xf32, #tpu.memory_space<hbm>>
      tpu.wait_indirect_dma semaphore(%arg21 : memref<!tpu.dma_semaphore, #tpu.memory_space<semaphore_mem>>) src(%dma_wait3A_269 : memref<320000x128xf32, #tpu.memory_space<hbm>>) dst(%dma_wait3A_264 : memref<80x128xf32, #tpu.memory_space<vmem>>)
      %multiple_of3A_270 = arith.constant 9920 : i32
      %multiple_of3A_271 = tpu.assume_multiple %multiple_of3A_270, 8 : i32
      "tpu.region"() ({
        %run_scoped3A = tpu.sem_alloc : memref<!tpu.dma_semaphore, #tpu.memory_space<semaphore_mem>>
        %dma_start3A_290 = arith.constant 0 : i32
        %dma_start3A_291 = arith.constant 0 : i32
        %dma_start3A_292 = tpu.memref_slice %arg20[%dma_start3A_290, %dma_start3A_291] : memref<320x128xf32, #tpu.memory_space<vmem>> -> memref<80x128xf32, #tpu.memory_space<vmem>>
        %dma_start3A_293 = arith.constant 0 : i32
        %dma_start3A_294 = tpu.memref_slice %arg11[%multiple_of3A_271, %dma_start3A_293] : memref<10000x128xf32, #tpu.memory_space<hbm>> -> memref<80x128xf32, #tpu.memory_space<hbm>>
        %dma_start3A_295 = arith.constant 0 : i32
        %dma_start3A_296 = tpu.memref_slice %arg11[%multiple_of3A_271, %dma_start3A_295] : memref<10000x128xf32, #tpu.memory_space<hbm>> -> memref<80x128xf32, #tpu.memory_space<hbm>>
        %dma_start3A_297 = arith.constant 0 : i32
        %dma_start3A_298 = arith.constant 0 : i32
        %dma_start3A_299 = tpu.memref_slice %arg20[%dma_start3A_297, %dma_start3A_298] : memref<320x128xf32, #tpu.memory_space<vmem>> -> memref<80x128xf32, #tpu.memory_space<vmem>>
        tpu.enqueue_dma source(%dma_start3A_299 : memref<80x128xf32, #tpu.memory_space<vmem>>) target(%dma_start3A_296 : memref<80x128xf32, #tpu.memory_space<hbm>>) target_semaphore(%run_scoped3A : memref<!tpu.dma_semaphore, #tpu.memory_space<semaphore_mem>>)
        %dma_wait3A_300 = arith.constant 0 : i32
        %dma_wait3A_301 = arith.constant 0 : i32
        %dma_wait3A_302 = tpu.memref_slice %arg20[%dma_wait3A_300, %dma_wait3A_301] : memref<320x128xf32, #tpu.memory_space<vmem>> -> memref<80x128xf32, #tpu.memory_space<vmem>>
        %dma_wait3A_303 = arith.constant 0 : i32
        %dma_wait3A_304 = tpu.memref_slice %arg11[%multiple_of3A_271, %dma_wait3A_303] : memref<10000x128xf32, #tpu.memory_space<hbm>> -> memref<80x128xf32, #tpu.memory_space<hbm>>
        %dma_wait3A_305 = arith.constant 0 : i32
        %dma_wait3A_306 = tpu.memref_slice %arg11[%multiple_of3A_271, %dma_wait3A_305] : memref<10000x128xf32, #tpu.memory_space<hbm>> -> memref<80x128xf32, #tpu.memory_space<hbm>>
        %dma_wait3A_307 = arith.constant 0 : i32
        %dma_wait3A_308 = arith.constant 0 : i32
        %dma_wait3A_309 = tpu.memref_slice %arg20[%dma_wait3A_307, %dma_wait3A_308] : memref<320x128xf32, #tpu.memory_space<vmem>> -> memref<80x128xf32, #tpu.memory_space<vmem>>
        tpu.wait_dma2 semaphore(%run_scoped3A : memref<!tpu.dma_semaphore, #tpu.memory_space<semaphore_mem>>) src(%dma_wait3A_309 : memref<80x128xf32, #tpu.memory_space<vmem>>) dst(%dma_wait3A_306 : memref<80x128xf32, #tpu.memory_space<hbm>>)
        tpu.yield
      }) : () -> ()
      %dma_start3A_272 = arith.constant 0 : i32
      %dma_start3A_273 = arith.constant 0 : i32
      %dma_start3A_274 = tpu.memref_slice %arg20[%dma_start3A_272, %dma_start3A_273] : memref<320x128xf32, #tpu.memory_space<vmem>> -> memref<80x128xf32, #tpu.memory_space<vmem>>
      %dma_start3A_275 = arith.constant 0 : i32
      %dma_start3A_276 = tpu.memref_slice %arg19[%dma_start3A_275] : memref<320xi32, #tpu.memory_space<vmem>> -> memref<80xi32, #tpu.memory_space<vmem>>
      %dma_start3A_277 = arith.constant 0 : i32
      %dma_start3A_278 = arith.constant 0 : i32
      %dma_start3A_279 = tpu.memref_slice %arg7[%dma_start3A_277, %dma_start3A_278] : memref<320000x128xf32, #tpu.memory_space<hbm>> -> memref<320000x128xf32, #tpu.memory_space<hbm>>
      tpu.enqueue_indirect_dma source(%dma_start3A_279 : memref<320000x128xf32, #tpu.memory_space<hbm>>) target(%dma_start3A_274 : memref<80x128xf32, #tpu.memory_space<vmem>>) offsets(%dma_start3A_276 : memref<80xi32, #tpu.memory_space<vmem>>) semaphore(%arg21 : memref<!tpu.dma_semaphore, #tpu.memory_space<semaphore_mem>>)
      %dma_wait3A_280 = arith.constant 0 : i32
      %dma_wait3A_281 = arith.constant 0 : i32
      %dma_wait3A_282 = tpu.memref_slice %arg20[%dma_wait3A_280, %dma_wait3A_281] : memref<320x128xf32, #tpu.memory_space<vmem>> -> memref<80x128xf32, #tpu.memory_space<vmem>>
      %dma_wait3A_283 = arith.constant 0 : i32
      %dma_wait3A_284 = tpu.memref_slice %arg19[%dma_wait3A_283] : memref<320xi32, #tpu.memory_space<vmem>> -> memref<80xi32, #tpu.memory_space<vmem>>
      %dma_wait3A_285 = arith.constant 0 : i32
      %dma_wait3A_286 = arith.constant 0 : i32
      %dma_wait3A_287 = tpu.memref_slice %arg7[%dma_wait3A_285, %dma_wait3A_286] : memref<320000x128xf32, #tpu.memory_space<hbm>> -> memref<320000x128xf32, #tpu.memory_space<hbm>>
      tpu.wait_indirect_dma semaphore(%arg21 : memref<!tpu.dma_semaphore, #tpu.memory_space<semaphore_mem>>) src(%dma_wait3A_287 : memref<320000x128xf32, #tpu.memory_space<hbm>>) dst(%dma_wait3A_282 : memref<80x128xf32, #tpu.memory_space<vmem>>)
      %multiple_of3A_288 = arith.constant 9920 : i32
      %multiple_of3A_289 = tpu.assume_multiple %multiple_of3A_288, 8 : i32
      "tpu.region"() ({
        %run_scoped3A = tpu.sem_alloc : memref<!tpu.dma_semaphore, #tpu.memory_space<semaphore_mem>>
        %dma_start3A_290 = arith.constant 0 : i32
        %dma_start3A_291 = arith.constant 0 : i32
        %dma_start3A_292 = tpu.memref_slice %arg20[%dma_start3A_290, %dma_start3A_291] : memref<320x128xf32, #tpu.memory_space<vmem>> -> memref<80x128xf32, #tpu.memory_space<vmem>>
        %dma_start3A_293 = arith.constant 0 : i32
        %dma_start3A_294 = tpu.memref_slice %arg12[%multiple_of3A_289, %dma_start3A_293] : memref<10000x128xf32, #tpu.memory_space<hbm>> -> memref<80x128xf32, #tpu.memory_space<hbm>>
        %dma_start3A_295 = arith.constant 0 : i32
        %dma_start3A_296 = tpu.memref_slice %arg12[%multiple_of3A_289, %dma_start3A_295] : memref<10000x128xf32, #tpu.memory_space<hbm>> -> memref<80x128xf32, #tpu.memory_space<hbm>>
        %dma_start3A_297 = arith.constant 0 : i32
        %dma_start3A_298 = arith.constant 0 : i32
        %dma_start3A_299 = tpu.memref_slice %arg20[%dma_start3A_297, %dma_start3A_298] : memref<320x128xf32, #tpu.memory_space<vmem>> -> memref<80x128xf32, #tpu.memory_space<vmem>>
        tpu.enqueue_dma source(%dma_start3A_299 : memref<80x128xf32, #tpu.memory_space<vmem>>) target(%dma_start3A_296 : memref<80x128xf32, #tpu.memory_space<hbm>>) target_semaphore(%run_scoped3A : memref<!tpu.dma_semaphore, #tpu.memory_space<semaphore_mem>>)
        %dma_wait3A_300 = arith.constant 0 : i32
        %dma_wait3A_301 = arith.constant 0 : i32
        %dma_wait3A_302 = tpu.memref_slice %arg20[%dma_wait3A_300, %dma_wait3A_301] : memref<320x128xf32, #tpu.memory_space<vmem>> -> memref<80x128xf32, #tpu.memory_space<vmem>>
        %dma_wait3A_303 = arith.constant 0 : i32
        %dma_wait3A_304 = tpu.memref_slice %arg12[%multiple_of3A_289, %dma_wait3A_303] : memref<10000x128xf32, #tpu.memory_space<hbm>> -> memref<80x128xf32, #tpu.memory_space<hbm>>
        %dma_wait3A_305 = arith.constant 0 : i32
        %dma_wait3A_306 = tpu.memref_slice %arg12[%multiple_of3A_289, %dma_wait3A_305] : memref<10000x128xf32, #tpu.memory_space<hbm>> -> memref<80x128xf32, #tpu.memory_space<hbm>>
        %dma_wait3A_307 = arith.constant 0 : i32
        %dma_wait3A_308 = arith.constant 0 : i32
        %dma_wait3A_309 = tpu.memref_slice %arg20[%dma_wait3A_307, %dma_wait3A_308] : memref<320x128xf32, #tpu.memory_space<vmem>> -> memref<80x128xf32, #tpu.memory_space<vmem>>
        tpu.wait_dma2 semaphore(%run_scoped3A : memref<!tpu.dma_semaphore, #tpu.memory_space<semaphore_mem>>) src(%dma_wait3A_309 : memref<80x128xf32, #tpu.memory_space<vmem>>) dst(%dma_wait3A_306 : memref<80x128xf32, #tpu.memory_space<hbm>>)
        tpu.yield
      }) : () -> ()
    } else {
    }
    return
  }
}

module attributes {stable_mosaic.version = 14 : i64} {
  func.func @_matvec_body(%arg0: i32, %arg1: memref<12800x128xf32, #tpu.memory_space<vmem>>, %arg2: memref<1x128xf32, #tpu.memory_space<vmem>>, %arg3: memref<1x1xf32, #tpu.memory_space<vmem>>, %arg4: memref<320000xf32, #tpu.memory_space<vmem>>) attributes {dimension_semantics = [#tpu.dimension_semantics<arbitrary>], iteration_bounds = array<i64: 25>, scalar_prefetch = 0 : i64, scratch_operands = 0 : i64, tpu.core_type = #tpu.core_type<tc>, window_params = [{transform_indices = @transform_0, window_bounds = array<i64: 12800, 128>}, {pipeline_mode = #tpu.pipeline_mode<synchronous>, transform_indices = @transform_1, window_bounds = array<i64: 1, 128>}, {pipeline_mode = #tpu.pipeline_mode<synchronous>, transform_indices = @transform_2, window_bounds = array<i64: 1, 1>}, {pipeline_mode = #tpu.pipeline_mode<synchronous>, transform_indices = @transform_3, window_bounds = array<i64: 320000>}]} {
    %get3A = arith.constant 0 : index
    %get3A_0 = arith.constant 0 : index
    %get3A_1 = vector.load %arg2[%get3A, %get3A_0] : memref<1x128xf32, #tpu.memory_space<vmem>>, vector<1x128xf32>
    %convert_element_type3A = arith.truncf %get3A_1 : vector<1x128xf32> to vector<1x128xbf16>
    %get3A_2 = arith.constant 0 : index
    %get3A_3 = arith.constant 0 : index
    %get3A_4 = vector.load %arg1[%get3A_2, %get3A_3] : memref<12800x128xf32, #tpu.memory_space<vmem>>, vector<12800x128xf32>
    %convert_element_type3A_5 = arith.truncf %get3A_4 : vector<12800x128xf32> to vector<12800x128xbf16>
    %dot_general3A = arith.constant dense<0.000000e+00> : vector<1x12800xf32>
    %dot_general3A_6 = tpu.matmul %convert_element_type3A, %convert_element_type3A_5, %dot_general3A {dimension_numbers = #tpu.dot_dimension_numbers<[1], [1], [0], [0], [0, 0, 1, 0], [], []>, transpose_lhs_hint = false} : vector<1x128xbf16>, vector<12800x128xbf16>, vector<1x12800xf32> -> vector<1x12800xf32>
    %squeeze3A = vector.shape_cast %dot_general3A_6 : vector<1x12800xf32> to vector<12800xf32>
    %get3A_7 = arith.constant 0 : index
    %get3A_8 = arith.constant 0 : index
    %get3A_9 = vector.load %arg3[%get3A_7, %get3A_8] : memref<1x1xf32, #tpu.memory_space<vmem>>, vector<1x1xf32>
    %get3A_10 = vector.extract %get3A_9[0, 0] : f32 from vector<1x1xf32>
    %add3A = vector.broadcast %get3A_10 : f32 to vector<12800xf32>
    %add3A_11 = arith.addf %squeeze3A, %add3A : vector<12800xf32>
    %mul3A = arith.constant 12800 : i32
    %mul3A_12 = arith.muli %arg0, %mul3A : i32
    %multiple_of3A = tpu.assume_multiple %mul3A_12, 128 : i32
    %swap3A = arith.index_cast %multiple_of3A : i32 to index
    %swap3A_13 = vector.load %arg4[%swap3A] : memref<320000xf32, #tpu.memory_space<vmem>>, vector<12800xf32>
    tpu.vector_store %arg4[%swap3A], %add3A_11 {strides = array<i32>} : memref<320000xf32, #tpu.memory_space<vmem>>, vector<12800xf32>,
    return
  }
  func.func @transform_0(%arg0: i32) -> (i32, i32) {
    %c0_i32 = arith.constant 0 : i32
    %c0_i32_0 = arith.constant 0 : i32
    return %arg0, %c0_i32 : i32, i32
  }
  func.func @transform_1(%arg0: i32) -> (i32, i32) {
    %c0_i32 = arith.constant 0 : i32
    %c0_i32_0 = arith.constant 0 : i32
    %c0_i32_1 = arith.constant 0 : i32
    return %c0_i32, %c0_i32_0 : i32, i32
  }
  func.func @transform_2(%arg0: i32) -> (i32, i32) {
    %c0_i32 = arith.constant 0 : i32
    %c0_i32_0 = arith.constant 0 : i32
    %c0_i32_1 = arith.constant 0 : i32
    return %c0_i32, %c0_i32_0 : i32, i32
  }
  func.func @transform_3(%arg0: i32) -> i32 {
    %c0_i32 = arith.constant 0 : i32
    %c0_i32_0 = arith.constant 0 : i32
    return %c0_i32 : i32
  }
}

</mosaic_0001>

<sc_bundles>
// kernel: kernel.4.cloned.1.call-start
scs
__scs_entry_jumppad:
0x0: {  	(pc) =	sbr.rel $0x88, $3  }
0x1: {  	(tag) =	ssettag $0x0;
	lr =	simm.s32 $0x1  }
0x2: {  	[smem:$0x3F9A] =	sst lr;
	_ =	strace $0xD0000000  }
0x3: {  	_ = 	snop  }
0x4: {  	_ = 	snop  }
0x5: {  	_ = 	snop  }
0x6: {  	_ = 	snop  }
0x7: {  	_ = 	snop  }
__scs_overlays_trampoline_lowered:
0x8: {  	[smem:$0x3FA9] =	sst s0  }
0x9: {  	[smem:$0x3FAA] =	sst s1  }
0xa: {  	[smem:$0x3FAB] =	sst s2  }
0xb: {  	[smem:$0x3FAC] =	sst s3  }
0xc: {  	[smem:$0x3FAD] =	sst s4  }
0xd: {  	[smem:$0x3FAE] =	sst s5  }
0xe: {  	[smem:$0x3FAF] =	sst s6  }
0xf: {  	[smem:$0x3FB0] =	sst s7  }
0x10: {  	[smem:$0x3FB1] =	sst s8  }
0x11: {  	[smem:$0x3FB2] =	sst s9;
	s0 =	simm.s32 @!p0 $0x0  }
0x12: {  	s1 =	sld [smem:$0x3F98];
	s0 =	simm.s32 @p0 $0x1  }
0x13: {  	[smem:$0x3FB3] =	sst s0;
	s0 =	simm.s32 @!p1 $0x0  }
0x14: {  	s2 =	sld [smem:$0x3F97];
	s0 =	simm.s32 @p1 $0x1  }
0x15: {  	[smem:$0x3FB4] =	sst s0;
	s0 =	simm.s32 @!p2 $0x0  }
0x16: {  	s3 =	sld [smem:$0x3FDB];
	s0 =	simm.s32 @p2 $0x1  }
0x17: {  	s4 =	simm.s32 $0x1BF5;
	[smem:$0x3FB6] =	sst s0  }
0x18: {  	s0 =	sld [smem:$0x3F99];
	_ =	swait.ge [sflag:s4], $0x0  }
0x19: {  	s7 =	sld [smem:$0x3F9A]  }
0x1a: {  	s8 =	sadd.s32 $0xFFFFE003, lr  }
0x1b: {  	s9 =	sadd.s32 $0xFFFFFEF7, lr;
	s5 =	simm.s32 $0xFFFFFFFF;
	p2 =	slt.u32 s8, $0xFFFFF086  }
0x1c: {  	p1 =	slt.u32 s9, $0xF7A;
	s5 =	simm.s32 @!p2 $0x0  }
0x1d: {  	s5 =	simm.s32 @p1 $0x1;
	p0 =	seq.s32 s7, s2  }
0x1e: {  	s7 =	smul.u32 @!p0 $0xF7A, s2;
	p2 =	seq.s32 @!p0 s5, $0x0  }
0x1f: {  	s9 =	smul.u32 $0xF7A, s1;
	s8 =	simm.s32 @!p0 $0x1BF5;
	p2 =	por !p2, p0  }
0x20: {  	[sflag:s8] =	ssyncset.s32 @!p0 $0xFFFFF086;
	s6 =	sadd.s32 @!p0 s3, s7;
	s7 =	simm.s32 @!p0 $0x108  }
0x21: {  	s3 =	sadd.s32 s3, s9;
	s6 =	sadd.s32 @!p0 $0x88, s6;
	s7 =	simm.s32 @p2 $0x1082  }
0x22: {  	[simem:s7], [sflag:s8] =	dma.local @!p0 [hbm:s6], $0xF7A  }
0x23: {  	s9 =	sor.u32 $0xD0000000, s2;
	s6 =	simm.s32 $0x108;
	_ =	swait.ge @!p0 [sflag:s8], $0x0  }
0x24: {  	s3 =	sadd.s32 $0x88, s3;
	s6 =	simm.s32 @!p1 $0x1082;
	[sflag:s4] =	ssyncset.s32 $0xFFFFF086  }
0x25: {  	[simem:s6], [sflag:s4] =	dma.local [hbm:s3], $0xF7A  }
0x26: {  	[smem:$0x3F9A] =	sst s1;
	(tag) =	ssettag s2;
	_ =	strace s9  }
0x27: {  	s1 =	sld [smem:$0x3FAA]  }
0x28: {  	s2 =	sld [smem:$0x3FAB]  }
0x29: {  	s4 =	sld [smem:$0x3FAD]  }
0x2a: {  	p0 =	seq.s32 s5, $0x0;
	s5 =	sld [smem:$0x3FAE]  }
0x2b: {  	s6 =	sld [smem:$0x3FAF]  }
0x2c: {  	s7 =	sld [smem:$0x3FB0]  }
0x2d: {  	s3 =	simm.s32 $0x108;
	s8 =	sld [smem:$0x3FB1]  }
0x2e: {  	s3 =	simm.s32 @!p0 $0x1082;
	s9 =	sld [smem:$0x3FB2]  }
0x2f: {  	lr =	sadd.s32 s0, s3;
	s0 =	sld [smem:$0x3FA9]  }
0x30: {  	s3 =	sld [smem:$0x3FAC]  }
0x31: {  	[smem:$0x3FB5] =	sst s10  }
0x32: {  	s10 =	sld [smem:$0x3FB3];
	_ =	sdelay $0x3  }
0x33: {  	p0 =	seq.s32 s10, $0x1;
	s10 =	sld [smem:$0x3FB5];
	_ =	sdelay $0x3  }
0x34: {  	[smem:$0x3FB5] =	sst s10  }
0x35: {  	s10 =	sld [smem:$0x3FB4];
	_ =	sdelay $0x3  }
0x36: {  	p1 =	seq.s32 s10, $0x1;
	s10 =	sld [smem:$0x3FB5];
	_ =	sdelay $0x3  }
0x37: {  	[smem:$0x3FB5] =	sst s10  }
0x38: {  	s10 =	sld [smem:$0x3FB6]  }
0x39: {  	_ = 	snop;
	(pc) =	sbr.ind lr, $3  }
0x3a: {  	_ = 	snop  }
0x3b: {  	_ = 	snop  }
0x3c: {  	p2 =	seq.s32 s10, $0x1;
	s10 =	sld [smem:$0x3FB5]  }
0x3d: {  	_ =	shalt  }
0x3e: {  	_ =	shalt  }
0x3f: {  	_ =	shalt  }
0x40: {  	_ =	shalt  }
0x41: {  	_ =	shalt  }
0x42: {  	_ =	shalt  }
0x43: {  	_ =	shalt  }
0x44: {  	_ =	shalt  }
0x45: {  	_ =	shalt  }
0x46: {  	_ =	shalt  }
0x47: {  	_ =	shalt  }
0x48: {  	_ =	shalt  }
0x49: {  	_ =	shalt  }
0x4a: {  	_ =	shalt  }
0x4b: {  	_ =	shalt  }
0x4c: {  	_ =	shalt  }
0x4d: {  	_ =	shalt  }
0x4e: {  	_ =	shalt  }
0x4f: {  	_ =	shalt  }
0x50: {  	_ =	shalt  }
0x51: {  	_ =	shalt  }
0x52: {  	_ =	shalt  }
0x53: {  	_ =	shalt  }
0x54: {  	_ =	shalt  }
0x55: {  	_ =	shalt  }
0x56: {  	_ =	shalt  }
0x57: {  	_ =	shalt  }
0x58: {  	_ =	shalt  }
0x59: {  	_ =	shalt  }
0x5a: {  	_ =	shalt  }
0x5b: {  	_ =	shalt  }
0x5c: {  	_ =	shalt  }
0x5d: {  	_ =	shalt  }
0x5e: {  	_ =	shalt  }
0x5f: {  	_ =	shalt  }
0x60: {  	_ =	shalt  }
0x61: {  	_ =	shalt  }
0x62: {  	_ =	shalt  }
0x63: {  	_ =	shalt  }
0x64: {  	_ =	shalt  }
0x65: {  	_ =	shalt  }
0x66: {  	_ =	shalt  }
0x67: {  	_ =	shalt  }
0x68: {  	_ =	shalt  }
0x69: {  	_ =	shalt  }
0x6a: {  	_ =	shalt  }
0x6b: {  	_ =	shalt  }
0x6c: {  	_ =	shalt  }
0x6d: {  	_ =	shalt  }
0x6e: {  	_ =	shalt  }
0x6f: {  	_ =	shalt  }
0x70: {  	_ =	shalt  }
0x71: {  	_ =	shalt  }
0x72: {  	_ =	shalt  }
0x73: {  	_ =	shalt  }
0x74: {  	_ =	shalt  }
0x75: {  	_ =	shalt  }
0x76: {  	_ =	shalt  }
0x77: {  	_ =	shalt  }
0x78: {  	_ =	shalt  }
0x79: {  	_ =	shalt  }
0x7a: {  	_ =	shalt  }
0x7b: {  	_ =	shalt  }
0x7c: {  	_ =	shalt  }
0x7d: {  	_ =	shalt  }
0x7e: {  	_ =	shalt  }
0x7f: {  	_ =	shalt  }
0x80: {  	_ =	shalt  }
0x81: {  	_ =	shalt  }
0x82: {  	_ =	shalt  }
0x83: {  	_ =	shalt  }
0x84: {  	_ =	shalt  }
0x85: {  	_ =	shalt  }
0x86: {  	_ =	shalt  }
0x87: {  	_ =	shalt  }
.Lfunc_end0:
.L_simem_size_0:
called_computation_lowered:
.L_overlay_start_0:
0x88: {  	s2 =	sld [smem:$0x3FD9]  }
0x89: {  	s3 =	sld [smem:$0x3FFE];
	_ =	sdelay $0x1  }
0x8a: {  	s1 =	srdreg.scid  }
0x8b: {  	s0 =	sand.u32 $0x1, s1  }
0x8c: {  	s30 =	sshll.u32 s0, $0xA;
	s2 =	sadd.s32 s3, s2  }
0x8d: {  	s2 =	sadd.s32 s2, s30  }
0x8e: {  	[smem:$0x3FC1] =	sst s2  }
0x8f: {  	_ = 	snop  }
0x90: {  	s2 =	sld [smem:$0x3FC9]  }
0x91: {  	s31 =	sld [smem:$0x3FC8]  }
0x92: {  	s4 =	sld [smem:$0x3FD0]  }
0x93: {  	s5 =	sld [smem:$0x3FC7]  }
0x94: {  	s6 =	sld [smem:$0x3FC6]  }
0x95: {  	s8 =	simm.s32 $0xA;
	s9 =	simm.s32 $0x10;
	s7 =	sld [smem:$0x3FC5]  }
0x96: {  	[smem:s9], [sflag:s8] =	dma.local [hbm:s4], $0x1  }
0x97: {  	_ =	swait.eq [sflag:s8], $0x1  }
0x98: {  	s16 =	sld [smem:$0x11]  }
0x99: {  	s17 =	sld [smem:$0x12];
	[sflag:s8] =	ssyncset.done $0x0  }
0x9a: {  	s10 =	sld [smem:$0x14];
	[sflag:s8] =	ssyncadd.s32 $0xFFFFFFFF  }
0x9b: {  	s18 =	sld [smem:$0x15];
	(tm) =	ssettm $0x1  }
0x9c: {  	s11 =	sld [smem:$0x3FFB];
	_ =	sdelay $0x3  }
0x9d: {  	_ =	strace s11  }
0x9e: {  	s11 =	sld [smem:$0x3FFC];
	_ =	sdelay $0x3  }
0x9f: {  	_ =	strace s11  }
0xa0: {  	s11 =	sld [smem:$0x3FFD];
	_ =	sdelay $0x3  }
0xa1: {  	_ =	strace s11  }
0xa2: {  	_ =	strace $0x8FFFFFFF  }
0xa3: {  	s19 =	sld [smem:$0x3FDB];
	_ =	sdelay $0x1  }
0xa4: {  	s12 =	simm.s32 $_scs_section_size  }
0xa5: {  	s13 =	simm.s32 $_size__tile_overlayer_lowered;
	s14 =	simm.s32 $_tile_overlayer_lowered  }
0xa6: {  	s22 =	simm.s32 $0x1BFF;
	s21 =	sshll.u32 s14, $0x1;
	s11 =	sadd.s32 s12, s19  }
0xa7: {  	s15 =	simm.s32 $0x0;
	s20 =	sshll.u32 s13, $0x1;
	s13 =	sadd.s32 s21, s11  }
0xa8: {  	[timem:s15], [sflag:s22] =	dma.local [hbm:s13], s20  }
0xa9: {  	_ =	swait.ge [sflag:s22], s20  }
0xaa: {  	s12 =	ssub.s32 $0x0, s20;
	[sflag:s22] =	ssyncset.done $0x0  }
0xab: {  	[sflag:s22] =	ssyncadd.s32 s12;
	_ =	sdelay $0x1  }
0xac: {  	s23 =	simm.s32 $0x1B8B  }
0xad: {  	_ =	swait.ge [sflag:s23], $0x1  }
0xae: {  	[sflag:s23] =	ssyncset.done $0x0  }
0xaf: {  	s25 =	simm.s32 $0x1B8E;
	s24 =	sld [smem:$0x3FFE];
	[sflag:s23] =	ssyncadd.s32 $0xFFFFFFFF  }
0xb0: {  	s26 =	simm.s32 $execute0_lowered;
	[smem:$0x3FD2] =	sst s25  }
0xb1: {  	s13 =	sshll.u32 s26, $0x1;
	_ =	strace $0x80000046;
	[dreg:$0x1] =	wrdreg $0xFFFFFFFF  }
0xb2: {  	s28 =	simm.s32 $_size_execute0_lowered;
	s11 =	sadd.s32 s11, s13;
	[dreg:$0x0] =	wrdreg $0x0  }
0xb3: {  	s13 =	sshll.u32 s28, $0x1;
	[dreg:$0x2] =	wrdreg s11  }
0xb4: {  	[dreg:$0x3] =	wrdreg s13  }
0xb5: {  	[dreg:$0x4] =	wrdreg $0xC0  }
0xb6: {  	_ =	task [dreg:s15], $0x5FFFF  }
0xb7: {  	[dreg:$0x1] =	wrdreg $0xFFFFFFFF  }
0xb8: {  	[dreg:$0x0] =	wrdreg $0x60  }
0xb9: {  	[dreg:$0x2] =	wrdreg s24  }
0xba: {  	[dreg:$0x3] =	wrdreg s31  }
0xbb: {  	[dreg:$0x4] =	wrdreg s2  }
0xbc: {  	[dreg:$0x5] =	wrdreg s5  }
0xbd: {  	[dreg:$0x6] =	wrdreg s6  }
0xbe: {  	[dreg:$0x7] =	wrdreg s7  }
0xbf: {  	[dreg:$0x8] =	wrdreg s17  }
0xc0: {  	[dreg:$0x9] =	wrdreg s16  }
0xc1: {  	[dreg:$0xa] =	wrdreg s10  }
0xc2: {  	[dreg:$0xb] =	wrdreg s18  }
0xc3: {  	[dreg:$0xc] =	wrdreg $0x9  }
0xc4: {  	_ =	task.clear_ibuf [dreg:s15], $0xDFFFF;
	_ =	strace $0x90000046  }
0xc5: {  	s29 =	simm.s32 $0x9;
	_ =	strace $0x80000048  }
0xc6: {  	_ =	swait.ge [sflag:s29], $0x1  }
0xc7: {  	[sflag:s29] =	ssyncadd.s32 $0xFFFFFFFF  }
0xc8: {  	_ =	strace $0x90000048  }
0xc9: {  	_ =	sfence  }
0xca: {  	s30 =	sld [smem:$0x0];
	_ =	sdelay $0x2  }
0xcb: {  	s31 =	sshll.u32 s1, $0xD;
	s1 =	sshrl.u32 s1, $0x2  }
0xcc: {  	s3 =	sand.u32 $0x4000, s31;
	s1 =	sadd.s32 s1, s30  }
0xcd: {  	s0 =	sor.u32 s3, s0;
	s1 =	sshll.u32 s1, $0x11  }
0xce: {  	s0 =	sor.u32 s1, s0  }
0xcf: {  	s0 =	sadd.s32 $0x8F2B, s0  }
0xd0: {  	[sflag:s0] =	ssyncadd.remote.s32 $0x1  }
0xd1: {  	_ =	sfence.sel $0xFFFF  }
0xd2: {  	[dreg:$0x0] =	wrdreg $0xFFFFFFFF;
	(pc) =	sbr.abs _section_cstart, $3  }
0xd3: {  	[dreg:$0x1] =	wrdreg $0xFFFFFFFF  }
0xd4: {  	_ =	task.clear_ibuf [dreg:s15], $0x2FFFF;
	_ =	strace $0x9FFFFFFF  }
0xd5: {  	(tm) =	ssettm $0x7FFFFFFF  }
tec
execute0_lowered:
.L_overlay_start_1:
0x0: {  	(tag) =	ssettag $0x1  }
0x1: {  	s1 =	rddreg [dreg:$0x0]  }
0x2: {  	s0 =	rddreg [dreg:$0x1]  }
0x3: {  	s2 =	rddreg [dreg:$0x6]  }
0x4: {  	s3 =	rddreg [dreg:$0x7];
	s4 =	srdreg.scid  }
0x5: {  	s6 =	stileid.u32;
	s5 =	rddreg [dreg:$0x8]  }
0x6: {  	s9 =	rddreg [dreg:$0x9];
	s7 =	simm.s32 $0x0;
	s28 =	simm.s32 $0x80  }
0x7: {  	s4 =	sand.u32 $0x1, s4;
	s6 =	sshll.u32 s6, $0x1;
	[smem:$0x7FF] =	sst s7  }
0x8: {  	v0 =	vimm.s32 $0x0;
	vm0 =	vcmask $0x300;
	s8 =	sadd.s32 $0xE00, s1;
	s25 =	sadd.s32 $0x26C00, s2;
	s26 =	sadd.s32 $0x26C00, s3  }
0x9: {  	vm4 =	vcmask $0x704;
	v2 =	vsel vm0, $0x46000, v0;
	s29 =	sadd.s32 $0x26C00, s5;
	_ =	strace $0x80000047;
	[dreg:$0x11] =	wrdreg s25  }
0xa: {  	vm5 =	vcmask $0xB08;
	vm6 =	vcmask $0xF0C;
	s30 =	sadd.s32 $0x26C00, s9;
	s6 =	sor.u32 s4, s6;
	v3 =	vsel vm4, $0x46A00, v2;
	[dreg:$0x12] =	wrdreg s26  }
0xb: {  	vm7 =	vcmask $0x1310;
	vm8 =	vcmask $0x1714;
	s4 =	ssub.s32 $0x2, s4;
	[dreg:$0x13] =	wrdreg s29;
	s10 =	smul.u32 $0x140, s6;
	v4 =	vsel vm5, $0x47400, v3  }
0xc: {  	vm9 =	vcmask $0x1B18;
	vm10 =	vcmask $0x1F1C;
	[dreg:$0x14] =	wrdreg s30;
	s12 =	smul.u32 $0x1400, s6;
	s13 =	sshrl.u32 s4, $0x1;
	v5 =	vsel vm6, $0x47E00, v4  }
0xd: {  	vm11 =	vcmask $0x2320;
	vm12 =	vcmask $0x2724;
	s26 =	simm.s32 $0x8E00;
	p0 =	seq.s32 s6, $0x1F;
	s4 =	ssub.s32 s4, s13;
	v6 =	vsel vm7, $0x48800, v5  }
0xe: {  	vm13 =	vcmask $0x2B28;
	s11 =	sshrl.u32 s10, $0x3;
	v1 =	vmov s10;
	s10 =	smin.u32 s10, $0x25D0;
	s21 =	sadd.s32 s2, s12;
	v7 =	vsel vm8, $0x49200, v6  }
0xf: {  	vm14 =	vcmask $0x2F2C;
	v2 =	vlaneseq.u32;
	s22 =	sadd.s32 s3, s12;
	s23 =	sadd.s32 s5, s12;
	[dreg:$0xc] =	wrdreg s21;
	v8 =	vsel vm9, $0x49C00, v7  }
0x10: {  	v3 =	vmul.u32 $0xA00, v2;
	v12 =	vmul.u32 $0xFFFFFFFF, v2;
	s24 =	sadd.s32 s9, s12;
	s31 =	smax.u32 s4, $0x1;
	[dreg:$0xd] =	wrdreg s22;
	v9 =	vsel vm10, $0x4A600, v8  }
.Ltmp0:
0x11: {  	vm15 =	vcmask $0x3330;
	v13 =	vadd.s32 $0x1, v2;
	s4 =	simm.s32 $0x100;
	[dreg:$0xe] =	wrdreg s23;
	v10 =	vsel vm11, $0x4B000, v9;
	(pc) =	sbr.rel .LBB2_1-.Ltmp0, $4  }
0x12: {  	v5 =	vadd.s32 $0xA000, v3;
	v12 =	vadd.s32 $0x7D, v12;
	s9 =	simm.s32 $0x0;
	s10 =	sadd.s32 $0x140, s10;
	[dreg:$0xf] =	wrdreg s24;
	v10 =	vsel vm12, $0x4BA00, v10  }
0x13: {  	s11 =	sadd.s32 s11, s1;
	s1 =	sadd.s32 $0xB0D8, s1;
	v6 =	vadd.s32 $0x14000, v3;
	[dreg:$0x15] =	wrdreg s31;
	v4 =	vmov s10;
	v11 =	vsel vm13, $0x4C400, v10  }
0x14: {  	s22 =	simm.s32 $0x2;
	s20 =	sadd.s32 $0xAC00, s11;
	[dreg:$0x10] =	wrdreg s1;
	v7 =	vadd.s32 $0x1E000, v3;
	v8 =	vadd.s32 $0x28000, v3;
	v11 =	vsel vm14, $0x4CE00, v11  }
0x15: {  	s24 =	simm.s32 $0x8C80;
	[dreg:$0xb] =	wrdreg s20;
	s20 =	simm.s32 $0x1;
	v9 =	vadd.s32 $0x32000, v3;
	v10 =	vadd.s32 $0x3C000, v3;
	v11 =	vsel vm15, $0x4D800, v11  }
.LBB2_27:
0x16: {  	s1 =	rddreg [dreg:$0x10];
	s2 =	simm.s32 $0x8B00  }
0x17: {  	[hbm4b:s1+s7] =	stream.linear.scatter [tilespmem:s2], [sflag:$0x2], $0x50, $0x38;
	[tilespmem:$0x12E00] =	vst v63  }
0x18: {  	_ =	swait.ge [sflag:s22], $0x50  }
0x19: {  	[sflag:s22] =	ssyncset.done $0x0  }
0x1a: {  	[sflag:s22] =	ssyncadd.s32 $0xFFFFFFB0  }
0x1b: {  	s18 =	simm.s32 $0x50;
	s17 =	rddreg [dreg:$0x2]  }
0x1c: {  	[tilespmem:s26], [sflag:$0x1] =	stream.indirect.gather [hbm4b:s17+s18], $0x80, s24, s18, $0xb8;
	[tilespmem:$0x12E00] =	vst v63  }
0x1d: {  	_ =	swait.ge [sflag:s20], $0x2800  }
0x1e: {  	[sflag:s20] =	ssyncset.done $0x0  }
0x1f: {  	s19 =	rddreg [dreg:$0x11];
	[sflag:s20] =	ssyncadd.s32 $0xFFFFD800  }
0x20: {  	[hbm4b:s19+s7] =	stream.linear.scatter [tilespmem:s26], [sflag:$0x2], $0x2800, $0x38;
	[tilespmem:$0x12E00] =	vst v63  }
0x21: {  	_ =	swait.ge [sflag:s22], $0x2800  }
0x22: {  	[sflag:s22] =	ssyncset.done $0x0  }
0x23: {  	[sflag:s22] =	ssyncadd.s32 $0xFFFFD800  }
0x24: {  	s21 =	rddreg [dreg:$0x3]  }
0x25: {  	[tilespmem:s26], [sflag:$0x1] =	stream.indirect.gather [hbm4b:s21+s18], $0x80, s24, s18, $0xb8;
	[tilespmem:$0x12E00] =	vst v63  }
0x26: {  	_ =	swait.ge [sflag:s20], $0x2800  }
0x27: {  	[sflag:s20] =	ssyncset.done $0x0  }
0x28: {  	s23 =	rddreg [dreg:$0x12];
	[sflag:s20] =	ssyncadd.s32 $0xFFFFD800  }
0x29: {  	[hbm4b:s23+s7] =	stream.linear.scatter [tilespmem:s26], [sflag:$0x2], $0x2800, $0x38;
	[tilespmem:$0x12E00] =	vst v63  }
0x2a: {  	_ =	swait.ge [sflag:s22], $0x2800  }
0x2b: {  	[sflag:s22] =	ssyncset.done $0x0  }
0x2c: {  	[sflag:s22] =	ssyncadd.s32 $0xFFFFD800  }
0x2d: {  	s25 =	rddreg [dreg:$0x4]  }
0x2e: {  	[tilespmem:s26], [sflag:$0x1] =	stream.indirect.gather [hbm4b:s25+s18], $0x80, s24, s18, $0xb8;
	[tilespmem:$0x12E00] =	vst v63  }
0x2f: {  	_ =	swait.ge [sflag:s20], $0x2800  }
0x30: {  	[sflag:s20] =	ssyncset.done $0x0  }
0x31: {  	s29 =	rddreg [dreg:$0x13];
	[sflag:s20] =	ssyncadd.s32 $0xFFFFD800  }
0x32: {  	[hbm4b:s29+s7] =	stream.linear.scatter [tilespmem:s26], [sflag:$0x2], $0x2800, $0x38;
	[tilespmem:$0x12E00] =	vst v63  }
0x33: {  	_ =	swait.ge [sflag:s22], $0x2800  }
0x34: {  	[sflag:s22] =	ssyncset.done $0x0  }
0x35: {  	[sflag:s22] =	ssyncadd.s32 $0xFFFFD800  }
0x36: {  	s30 =	rddreg [dreg:$0x5]  }
0x37: {  	[tilespmem:s26], [sflag:$0x1] =	stream.indirect.gather [hbm4b:s30+s18], $0x80, s24, s18, $0xb8;
	[tilespmem:$0x12E00] =	vst v63  }
0x38: {  	_ =	swait.ge [sflag:s20], $0x2800  }
0x39: {  	[sflag:s20] =	ssyncset.done $0x0  }
0x3a: {  	s31 =	rddreg [dreg:$0x14];
	[sflag:s20] =	ssyncadd.s32 $0xFFFFD800  }
0x3b: {  	[hbm4b:s31+s7] =	stream.linear.scatter [tilespmem:s26], [sflag:$0x2], $0x2800, $0x38;
	[tilespmem:$0x12E00] =	vst v63  }
0x3c: {  	_ =	swait.ge [sflag:s22], $0x2800  }
0x3d: {  	[sflag:s22] =	ssyncset.done $0x0  }
0x3e: {  	s4 =	simm.s32 $0x100;
	[sflag:s22] =	ssyncadd.s32 $0xFFFFD800  }
.LBB2_28:
0x3f: {  	s9 =	sadd.s32 $0x1, s9;
	s1 =	rddreg [dreg:$0x15]  }
0x40: {  	p1 =	sne.s32 s9, s1  }
.Ltmp1:
0x41: {  	_ = 	snop;
	(pc) =	sbr.rel @!p1 .LBB2_29-.Ltmp1, $1  }
0x42: {  	_ =	sdelay $0x3  }
.LBB2_1:
0x43: {  	[tilespmem:$0x0] =	vst v3  }
0x44: {  	[tilespmem:$0x10] =	vst v5  }
0x45: {  	[tilespmem:$0x20] =	vst v6  }
0x46: {  	[tilespmem:$0x30] =	vst v7  }
0x47: {  	[tilespmem:$0x40] =	vst v8  }
0x48: {  	[tilespmem:$0x50] =	vst v9  }
0x49: {  	[tilespmem:$0x60] =	vst v10  }
0x4a: {  	[tilespmem:$0x70] =	vst v11  }
0x4b: {  	[tilespmem:s28], [sflag:$0x1] =	stream.indirect.gather [hbm4b:s0+s28], $0x1, s7, s28, $0xb8;
	[tilespmem:$0x12E00] =	vst v63  }
0x4c: {  	_ =	swait.ge [sflag:s20], $0x80  }
0x4d: {  	[sflag:s20] =	ssyncset.done $0x0  }
0x4e: {  	[sflag:s20] =	ssyncadd.s32 $0xFFFFFF80  }
0x4f: {  	s1 =	simm.s32 $0x90;
	v14 =	vld [tilespmem:s28+$0x0]  }
0x50: {  	v15 =	vld [tilespmem:s1+$0x0];
	_ =	sdelay $0x1  }
0x51: {  	s29 =	simm.s32 $0x10  }
0x52: {  	s25 =	simm.s32 $0xA0;
	v17 =	vmov s7;
	v61 =	vmov s29  }
0x53: {  	s30 =	simm.s32 $0x20;
	vm0 =	vlt.u32 v17, v12;
	vm2 =	vlt.u32 v61, v12;
	v16 =	vld [tilespmem:s25+$0x0];
	vm1 =	vlt.s32 v14, v1  }
0x54: {  	vm3 =	vlt.s32 v15, v1;
	v14 =	vmov s30;
	vm0 =	vmand vm0, vm1  }
0x55: {  	vm1 =	vmand vm2, vm3;
	vm2 =	vlt.u32 v14, v12;
	v14 =	vmpcnt.ones.xlane vm0;
	_ =	sdelay $0x1  }
0x56: {  	(v2sf) =	vpush v14, $0x0  }
0x57: {  	vm0 =	vlt.s32 v16, v1  }
0x58: {  	v62 =	vmpcnt.ones.xlane vm1;
	vm0 =	vmand vm2, vm0  }
0x59: {  	v14 =	vmpcnt.ones.xlane vm0  }
0x5a: {  	(v2sf) =	vpush v62, $0x0  }
0x5b: {  	(v2sf) =	vpush v14, $0x0;
	_ =	sdelay $0x1  }
0x5c: {  	s2 =	simm.s32 $0xB0  }
0x5d: {  	v15 =	vld [tilespmem:s2+$0x0];
	_ =	sdelay $0x2  }
0x5e: {  	s31 =	simm.s32 $0x30  }
0x5f: {  	v63 =	vmov s31  }
0x60: {  	s3 =	simm.s32 $0xC0;
	s1 =	simm.s32 $0x0;
	s2 =	simm.s32 $0x40;
	vm0 =	vlt.u32 v63, v12;
	vm1 =	vlt.s32 v15, v1  }
.LBB2_2:
0x61: {  	p1 =	sne.s32 s2, $0x70  }
0x62: {  	v14 =	vld [tilespmem:s3+$0x0];
	vm0 =	vmand vm0, vm1;
	s5 =	spop (v2sf);
	s10 =	smov.u32 s2;
	s2 =	sadd.s32 $0x10, s2  }
.Ltmp2:
0x63: {  	v15 =	vmpcnt.ones.xlane vm0;
	s1 =	sadd.s32 s1, s5;
	(pc) =	sbr.rel @p1 .LBB2_2-.Ltmp2, $4  }
0x64: {  	_ = 	snop  }
0x65: {  	(v2sf) =	vpush v15, $0x0  }
0x66: {  	v15 =	vmov s10  }
0x67: {  	s3 =	sadd.s32 $0x10, s3;
	vm0 =	vlt.u32 v15, v12;
	vm1 =	vlt.s32 v14, v1  }
0x68: {  	vm0 =	vmand vm0, vm1  }
0x69: {  	v14 =	vmpcnt.ones.xlane vm0;
	_ =	sdelay $0x1  }
0x6a: {  	(v2sf) =	vpush v14, $0x0;
	_ =	sdelay $0xb  }
0x6b: {  	s2 =	spop (v2sf)  }
0x6c: {  	s1 =	sadd.s32 s1, s2;
	s18 =	spop (v2sf)  }
0x6d: {  	s1 =	sadd.s32 s1, s18;
	s19 =	spop (v2sf)  }
0x6e: {  	s1 =	sadd.s32 s1, s19;
	s21 =	spop (v2sf)  }
0x6f: {  	s1 =	sadd.s32 s1, s21  }
0x70: {  	s1 =	sadd.s32 $0xFFFFFFFF, s1  }
0x71: {  	p1 =	sgt.s32 s1, $0x0  }
0x72: {  	s1 =	simm.s32 @!p1 $0x0  }
0x73: {  	s10 =	smul.u32 $0xA00, s1;
	_ =	sdelay $0x1  }
0x74: {  	s1 =	sshrl.u32 s10, $0x3  }
0x75: {  	s23 =	sadd.s32 s0, s1;
	s1 =	simm.s32 $0x0  }
0x76: {  	[tilespmem:s4], [sflag:$0x2] =	stream.linear.gather [hbm4b:s23+s1], $0xA00, $0x38;
	[tilespmem:$0x12E00] =	vst v63  }
0x77: {  	_ =	swait.ge [sflag:s22], $0xA00  }
0x78: {  	[sflag:s22] =	ssyncset.done $0x0  }
0x79: {  	s25 =	simm.s32 $0x0;
	[sflag:s22] =	ssyncadd.s32 $0xFFFFF600  }
0x7a: {  	v14 =	vld [tilespmem:s25+$0x100]  }
0x7b: {  	s29 =	simm.s32 $0x10  }
0x7c: {  	s30 =	simm.s32 $0x20;
	v15 =	vld [tilespmem:s29+$0x100]  }
0x7d: {  	v16 =	vld [tilespmem:s30+$0x100];
	_ =	sdelay $0x1  }
0x7e: {  	vm13 =	vlt.s32 v14, v1  }
0x7f: {  	v14 =	vmpcnt.ones.xlane vm13  }
0x80: {  	vm14 =	vlt.s32 v15, v1  }
0x81: {  	vm15 =	vlt.s32 v16, v1;
	v15 =	vmpcnt.ones.xlane vm14;
	(v2sf) =	vpush v14, $0x0  }
0x82: {  	v16 =	vmpcnt.ones.xlane vm15  }
0x83: {  	(v2sf) =	vpush v15, $0x0  }
0x84: {  	(v2sf) =	vpush v16, $0x0;
	_ =	sdelay $0x5  }
0x85: {  	s31 =	simm.s32 $0x30  }
0x86: {  	v14 =	vld [tilespmem:s31+$0x100];
	_ =	sdelay $0x1  }
0x87: {  	s3 =	simm.s32 $0x100;
	s2 =	simm.s32 $0x0  }
.LBB2_4:
0x88: {  	p1 =	sne.s32 s3, $0x27C0  }
.Ltmp3:
0x89: {  	s5 =	sshra.s32 s3, $0x2;
	(pc) =	sbr.rel @p1 .LBB2_4-.Ltmp3, $3  }
0x8a: {  	s3 =	sadd.s32 $0x40, s3;
	s11 =	spop (v2sf);
	vm0 =	vlt.s32 v14, v1  }
0x8b: {  	s2 =	sadd.s32 s2, s11;
	v14 =	vld [tilespmem:s5+$0x100];
	v15 =	vmpcnt.ones.xlane vm0;
	_ =	sdelay $0x1  }
0x8c: {  	(v2sf) =	vpush v15, $0x0  }
0x8d: {  	_ =	sdelay $0x1  }
0x8e: {  	vm0 =	vlt.s32 v14, v1  }
0x8f: {  	v14 =	vmpcnt.ones.xlane vm0  }
0x90: {  	s3 =	simm.s32 $0x80  }
0x91: {  	s18 =	simm.s32 $0x90;
	(v2sf) =	vpush v14, $0x0;
	v14 =	vld [tilespmem:s3+$0x0]  }
0x92: {  	v15 =	vld [tilespmem:s18+$0x0];
	_ =	sdelay $0x1  }
0x93: {  	s21 =	simm.s32 $0x10  }
0x94: {  	s19 =	simm.s32 $0xA0;
	v17 =	vmov s1;
	v61 =	vmov s21  }
0x95: {  	s23 =	simm.s32 $0x20;
	v16 =	vld [tilespmem:s19+$0x0];
	vm2 =	vlt.u32 v61, v12;
	vm0 =	vlt.u32 v17, v12;
	vm1 =	vlt.s32 v14, v4  }
0x96: {  	vm3 =	vlt.s32 v15, v4;
	v14 =	vmov s23;
	vm0 =	vmand vm0, vm1  }
0x97: {  	vm1 =	vmand vm2, vm3;
	vm2 =	vlt.u32 v14, v12;
	v14 =	vmpcnt.ones.xlane vm0  }
0x98: {  	s25 =	spop (v2sf)  }
0x99: {  	s29 =	spop (v2sf);
	(v2sf) =	vpush v14, $0x0  }
0x9a: {  	vm0 =	vlt.s32 v16, v4  }
0x9b: {  	v62 =	vmpcnt.ones.xlane vm1;
	vm0 =	vmand vm2, vm0  }
0x9c: {  	v14 =	vmpcnt.ones.xlane vm0  }
0x9d: {  	(v2sf) =	vpush v62, $0x0  }
0x9e: {  	s30 =	spop (v2sf);
	(v2sf) =	vpush v14, $0x0;
	_ =	sdelay $0x1  }
0x9f: {  	s5 =	simm.s32 $0xB0  }
0xa0: {  	v15 =	vld [tilespmem:s5+$0x0];
	_ =	sdelay $0x1  }
0xa1: {  	s2 =	sadd.s32 s2, s25  }
0xa2: {  	s31 =	simm.s32 $0x30;
	s2 =	sadd.s32 s2, s29  }
0xa3: {  	v63 =	vmov s31;
	s15 =	sadd.s32 s2, s30;
	s16 =	spop (v2sf)  }
0xa4: {  	s3 =	simm.s32 $0xC0;
	vm1 =	vlt.s32 v15, v4;
	vm0 =	vlt.u32 v63, v12;
	s2 =	simm.s32 $0x40;
	s13 =	sadd.s32 s15, s16  }
.LBB2_6:
0xa5: {  	p1 =	sne.s32 s2, $0x70  }
0xa6: {  	v14 =	vld [tilespmem:s3+$0x0];
	vm0 =	vmand vm0, vm1;
	s5 =	spop (v2sf);
	s11 =	smov.u32 s2;
	s2 =	sadd.s32 $0x10, s2  }
.Ltmp4:
0xa7: {  	v15 =	vmpcnt.ones.xlane vm0;
	s1 =	sadd.s32 s1, s5;
	(pc) =	sbr.rel @p1 .LBB2_6-.Ltmp4, $4  }
0xa8: {  	_ = 	snop  }
0xa9: {  	(v2sf) =	vpush v15, $0x0  }
0xaa: {  	v15 =	vmov s11  }
0xab: {  	s3 =	sadd.s32 $0x10, s3;
	vm0 =	vlt.u32 v15, v12;
	vm1 =	vlt.s32 v14, v4  }
0xac: {  	vm0 =	vmand vm0, vm1  }
0xad: {  	v14 =	vmpcnt.ones.xlane vm0;
	_ =	sdelay $0x1  }
0xae: {  	(v2sf) =	vpush v14, $0x0;
	_ =	sdelay $0xb  }
0xaf: {  	s2 =	spop (v2sf)  }
0xb0: {  	s1 =	sadd.s32 s1, s2;
	s19 =	spop (v2sf)  }
0xb1: {  	s1 =	sadd.s32 s1, s19;
	s21 =	spop (v2sf)  }
0xb2: {  	s1 =	sadd.s32 s1, s21;
	s23 =	spop (v2sf)  }
0xb3: {  	s1 =	sadd.s32 s1, s23  }
0xb4: {  	s1 =	sadd.s32 $0xFFFFFFFF, s1  }
0xb5: {  	p1 =	sgt.s32 s1, $0x0  }
0xb6: {  	s1 =	simm.s32 @!p1 $0x0  }
0xb7: {  	s1 =	smul.u32 $0xA00, s1;
	_ =	sdelay $0x1  }
0xb8: {  	s25 =	sshrl.u32 s1, $0x3  }
0xb9: {  	s2 =	simm.s32 $0x0;
	s3 =	sadd.s32 s0, s25  }
0xba: {  	[tilespmem:s4], [sflag:$0x2] =	stream.linear.gather [hbm4b:s3+s2], $0xA00, $0x38;
	[tilespmem:$0x12E00] =	vst v63  }
0xbb: {  	_ =	swait.ge [sflag:s22], $0xA00  }
0xbc: {  	[sflag:s22] =	ssyncset.done $0x0  }
0xbd: {  	s29 =	simm.s32 $0x0;
	[sflag:s22] =	ssyncadd.s32 $0xFFFFF600  }
0xbe: {  	v14 =	vld [tilespmem:s29+$0x100]  }
0xbf: {  	s30 =	simm.s32 $0x10  }
0xc0: {  	s31 =	simm.s32 $0x20;
	v15 =	vld [tilespmem:s30+$0x100]  }
0xc1: {  	v16 =	vld [tilespmem:s31+$0x100];
	_ =	sdelay $0x1  }
0xc2: {  	vm13 =	vlt.s32 v14, v4  }
0xc3: {  	v14 =	vmpcnt.ones.xlane vm13  }
0xc4: {  	vm14 =	vlt.s32 v15, v4  }
0xc5: {  	vm15 =	vlt.s32 v16, v4;
	v15 =	vmpcnt.ones.xlane vm14;
	(v2sf) =	vpush v14, $0x0  }
0xc6: {  	v16 =	vmpcnt.ones.xlane vm15  }
0xc7: {  	(v2sf) =	vpush v15, $0x0  }
0xc8: {  	(v2sf) =	vpush v16, $0x0;
	_ =	sdelay $0x5  }
0xc9: {  	s5 =	simm.s32 $0x30  }
0xca: {  	v14 =	vld [tilespmem:s5+$0x100];
	_ =	sdelay $0x1  }
0xcb: {  	s3 =	simm.s32 $0x100  }
.LBB2_8:
0xcc: {  	p1 =	sne.s32 s3, $0x27C0  }
.Ltmp5:
0xcd: {  	s5 =	sshra.s32 s3, $0x2;
	(pc) =	sbr.rel @p1 .LBB2_8-.Ltmp5, $3  }
0xce: {  	s3 =	sadd.s32 $0x40, s3;
	s11 =	spop (v2sf);
	vm0 =	vlt.s32 v14, v4  }
0xcf: {  	s2 =	sadd.s32 s2, s11;
	v14 =	vld [tilespmem:s5+$0x100];
	v15 =	vmpcnt.ones.xlane vm0;
	_ =	sdelay $0x1  }
0xd0: {  	(v2sf) =	vpush v15, $0x0  }
0xd1: {  	_ =	sdelay $0x1  }
0xd2: {  	vm0 =	vlt.s32 v14, v4  }
0xd3: {  	v14 =	vmpcnt.ones.xlane vm0;
	_ =	sdelay $0x1  }
0xd4: {  	(v2sf) =	vpush v14, $0x0;
	_ =	sdelay $0x3  }
0xd5: {  	[tilespmem:$0x8C80] =	vst v0  }
0xd6: {  	[tilespmem:$0x8C90] =	vst v0  }
0xd7: {  	[tilespmem:$0x8CA0] =	vst v0  }
0xd8: {  	[tilespmem:$0x8CB0] =	vst v0  }
0xd9: {  	[tilespmem:$0x8CC0] =	vst v0  }
0xda: {  	[tilespmem:$0x8CD0] =	vst v0  }
0xdb: {  	[tilespmem:$0x8CE0] =	vst v0  }
0xdc: {  	[tilespmem:$0x8CF0] =	vst v0  }
0xdd: {  	[tilespmem:$0x8D00] =	vst v0;
	s3 =	spop (v2sf)  }
0xde: {  	[tilespmem:$0x8D10] =	vst v0;
	s2 =	sadd.s32 s2, s3;
	s29 =	spop (v2sf)  }
0xdf: {  	[tilespmem:$0x8D20] =	vst v0;
	s2 =	sadd.s32 s2, s29;
	s30 =	spop (v2sf)  }
0xe0: {  	[tilespmem:$0x8D30] =	vst v0;
	s2 =	sadd.s32 s2, s30;
	s31 =	spop (v2sf)  }
0xe1: {  	[tilespmem:$0x8D40] =	vst v0;
	s2 =	sadd.s32 s2, s31  }
0xe2: {  	[tilespmem:$0x8D50] =	vst v0;
	s11 =	sadd.s32 s10, s13;
	s12 =	sadd.s32 s1, s2  }
0xe3: {  	[tilespmem:$0x8D60] =	vst v0;
	p1 =	sle.s32 s12, s11  }
.Ltmp6:
0xe4: {  	[tilespmem:$0x8D70] =	vst v0;
	(pc) =	sbr.rel @p1 .LBB2_25-.Ltmp6, $4  }
0xe5: {  	[tilespmem:$0x8D80] =	vst v0  }
0xe6: {  	[tilespmem:$0x8D90] =	vst v0  }
0xe7: {  	[tilespmem:$0x8DA0] =	vst v0  }
0xe8: {  	[tilespmem:$0x8DB0] =	vst v0  }
0xe9: {  	s30 =	sand.u32 $0xF, s13  }
0xea: {  	s1 =	ssub.s32 s11, s30  }
0xeb: {  	s2 =	ssub.s32 s12, s1  }
0xec: {  	s2 =	sadd.s32 $0xF, s2  }
0xed: {  	s3 =	sand.u32 $0xF, s2  }
0xee: {  	s31 =	sshra.s32 s2, $0x1F;
	p2 =	slt.s32 s2, $0x1;
	p1 =	sne.s32 s3, $0x0  }
0xef: {  	s3 =	sshrl.u32 s31, $0x1C;
	p1 =	por !p2, !p1  }
0xf0: {  	s2 =	sadd.s32 s3, s2;
	s3 =	simm.s32 $0x1;
	p1 =	por !p1, !p1  }
0xf1: {  	s2 =	sshra.s32 s2, $0x4;
	s3 =	simm.s32 @!p1 $0x0  }
0xf2: {  	s2 =	ssub.s32 s2, s3  }
0xf3: {  	p1 =	slt.s32 s2, $0x1  }
.Ltmp7:
0xf4: {  	_ = 	snop;
	(pc) =	sbr.rel @p1 .LBB2_11-.Ltmp7, $1  }
0xf5: {  	_ =	sdelay $0x3  }
0xf6: {  	s3 =	sadd.s32 s16, s10;
	s17 =	simm.s32 $0x0  }
0xf7: {  	v14 =	vmov s12;
	v15 =	vmov s30;
	s10 =	simm.s32 $0x0;
	s18 =	simm.s32 $0x0;
	s3 =	sadd.s32 s15, s3  }
0xf8: {  	v16 =	vimm.f32 $-Inf;
	v17 =	vimm.s32 $0x0;
	v18 =	vimm.s32 $0x0;
	s15 =	ssub.s32 $0x0, s2;
	s2 =	simm.s32 $0x0;
	s16 =	ssub.s32 s3, s30  }
.LBB2_13:
0xf9: {  	s29 =	sshll.u32 s18, $0x4  }
0xfa: {  	s5 =	sadd.s32 s29, s16  }
0xfb: {  	s3 =	smov.u32 s18;
	s18 =	sadd.s32 $0x1, s18;
	s5 =	sshll.u32 s5, $0x2  }
0xfc: {  	s25 =	simm.s32 $0x0;
	s14 =	smov.u32 s1;
	s5 =	sshra.s32 s5, $0x2  }
0xfd: {  	s21 =	sadd.s32 $0xB00, s5;
	s19 =	sadd.s32 $0x4B00, s5;
	s5 =	smov.u32 s29  }
.LBB2_14:
0xfe: {  	s13 =	sadd.s32 s25, s29  }
0xff: {  	s13 =	sand.u32 $0xFFFFC000, s13  }
0x100: {  	s31 =	sadd.s32 $0xFFFFFFFF, s18;
	s13 =	sadd.s32 s1, s13  }
0x101: {  	s31 =	sand.u32 $0x3FF, s31;
	p1 =	slt.s32 s13, $0x4A200  }
0x102: {  	s6 =	sand.u32 $0xFFFFC000, s5;
	s13 =	simm.s32 @!p1 $0x4A200;
	p1 =	sne.s32 s31, $0x0  }
0x103: {  	s6 =	sadd.s32 s6, s16;
	s13 =	sshrl.u32 @!p1 s13, $0x3  }
0x104: {  	s4 =	simm.s32 @!p1 $0x0;
	s23 =	simm.s32 @!p1 $0xB00;
	s31 =	sadd.s32 @!p1 s0, s13  }
0x105: {  	[tilespmem:s23], [sflag:$0x2] =	stream.linear.gather @!p1 [hbm4b:s31+s4], $0x4000, $0x38;
	[tilespmem:$0x12E00] =	vst v63  }
0x106: {  	p2 =	slt.s32 s6, $0x4A200;
	s23 =	simm.s32 @!p1 $0x2  }
0x107: {  	s6 =	simm.s32 @!p2 $0x4A200;
	_ =	swait.ge @!p1 [sflag:s23], $0x4000  }
0x108: {  	s6 =	sshll.u32 s6, $0x2;
	[sflag:s23] =	ssyncset.done @!p1 $0x0  }
0x109: {  	s13 =	sadd.s32 @!p1 s8, s13;
	s31 =	simm.s32 @!p1 $0x4B00;
	[sflag:s23] =	ssyncadd.s32 @!p1 $0xFFFFC000  }
0x10a: {  	[tilespmem:s31], [sflag:$0x2] =	stream.linear.gather @!p1 [hbm4b:s13+s4], $0x4000, $0x38;
	[tilespmem:$0x12E00] =	vst v63  }
0x10b: {  	s6 =	ssub.s32 $0x0, s6;
	_ =	swait.ge @!p1 [sflag:s23], $0x4000  }
0x10c: {  	s4 =	sshra.s32 s6, $0x2;
	[sflag:s23] =	ssyncset.done @!p1 $0x0  }
0x10d: {  	s13 =	sadd.s32 s4, s21;
	[sflag:s23] =	ssyncadd.s32 @!p1 $0xFFFFC000  }
0x10e: {  	v20 =	vld [tilespmem:s13+$0x0];
	_ =	sdelay $0x3  }
0x10f: {  	p2 =	sne.s32 s18, $0x1;
	s23 =	sadd.s32 s14, s29  }
0x110: {  	p1 =	seq.s32 s18, $0x1;
	v19 =	vadd.s32 s23, v2;
	s13 =	smov.u32 s30;
	v22 =	vperm.xlane @!p2 v20, v15  }
0x111: {  	vm0 =	vlt.s32 v19, v14;
	s13 =	simm.s32 @!p1 $0x0  }
0x112: {  	v21 =	vnsel vm0, $0x40000000, v20;
	v18 =	vpsel p2, v18, v22;
	v22 =	vmov s13  }
0x113: {  	vm15 =	vlt.u32 v22, v13;
	vm1 =	veq.s32 v21, v18  }
0x114: {  	vm0 =	vmand vm15, vm1  }
0x115: {  	v22 =	vmpcnt.ones.xlane vm0;
	_ =	sdelay $0x1  }
0x116: {  	(v2sf) =	vpush v22, $0x0;
	_ =	sdelay $0xe  }
0x117: {  	s31 =	spop (v2sf)  }
0x118: {  	p2 =	seq.s32 s31, $0x10  }
.Ltmp8:
0x119: {  	_ = 	snop;
	(pc) =	sbr.rel @p2 .LBB2_30-.Ltmp8, $3  }
0x11a: {  	_ =	sdelay $0x1  }
0x11b: {  	s4 =	sadd.s32 s4, s19  }
0x11c: {  	s10 =	smov.u32 @p1 s11;
	v22 =	vld [tilespmem:s4+$0x0]  }
0x11d: {  	p1 =	sne.s32 s2, $0x0  }
.Ltmp9:
0x11e: {  	_ = 	snop;
	(pc) =	sbr.rel @!p1 .LBB2_16-.Ltmp9, $1  }
0x11f: {  	_ =	sdelay $0x3  }
0x120: {  	s18 =	sadd.s32 $0x1, s18  }
0x121: {  	s2 =	sadd.s32 s18, s15  }
0x122: {  	p1 =	seq.s32 s2, $0x1  }
.Ltmp10:
0x123: {  	_ = 	snop;
	(pc) =	sbr.rel @!p1 .LBB2_14-.Ltmp10, $4  }
.Ltmp11:
0x124: {  	_ = 	snop;
	(pc) =	sbr.rel @p1 .LBB2_25-.Ltmp11, $4  }
0x125: {  	_ = 	snop  }
0x126: {  	s14 =	sadd.s32 $0x10, s14;
	s21 =	sadd.s32 $0x10, s21;
	s5 =	sadd.s32 $0x10, s5  }
0x127: {  	s19 =	sadd.s32 $0x10, s19;
	s25 =	sadd.s32 $0x10, s25;
	s2 =	simm.s32 $0x1  }
0x128: {  	_ = 	snop  }
.LBB2_30:
0x129: {  	_ = 	snop  }
.Ltmp12:
0x12a: {  	_ = 	snop;
	(pc) =	sbr.rel .LBB2_21-.Ltmp12, $3  }
0x12b: {  	_ =	sdelay $0x1  }
0x12c: {  	vm0 =	vgt.f32 v22, v16  }
0x12d: {  	v16 =	vsel vm0, v22, v16;
	v17 =	vsel vm0, v19, v17  }
.LBB2_16:
0x12e: {  	s2 =	sshll.u32 s3, $0x4  }
0x12f: {  	s6 =	simm.s32 $0x8B00;
	s3 =	sadd.s32 s14, s2  }
.LBB2_17:
0x130: {  	v23 =	vmov s13  }
0x131: {  	vm1 =	veq.s32 v21, v18;
	vm0 =	vlt.s32 v23, v13  }
0x132: {  	vm0 =	vmand vm1, vm0  }
0x133: {  	v23 =	vmpcnt.ones.xlane vm0;
	_ =	sdelay $0x1  }
0x134: {  	(v2sf) =	vpush v23, $0x0;
	_ =	sdelay $0xe  }
0x135: {  	s19 =	spop (v2sf)  }
0x136: {  	s5 =	smov.u32 s13;
	s13 =	sadd.s32 s13, s19  }
0x137: {  	p1 =	sgt.s32 s13, $0xF  }
.Ltmp13:
0x138: {  	_ = 	snop;
	(pc) =	sbr.rel @p1 .LBB2_18-.Ltmp13, $4  }
0x139: {  	_ = 	snop  }
0x13a: {  	vm15 =	vgt.f32 v22, v16  }
0x13b: {  	vm0 =	vmand vm0, vm15  }
0x13c: {  	v16 =	vsel vm0, v22, v16;
	v17 =	vsel vm0, v19, v17  }
0x13d: {  	(xrf0) =	vmax.scan.msk.f32 $0xffff, v16;
	_ =	sdelay $0x5  }
0x13e: {  	v18, _, _ =	vpop (xrf0)  }
0x13f: {  	v18 =	vbroadcast v18, $0xF;
	_ =	sdelay $0x1  }
0x140: {  	vm0 =	veq.f32 v16, v18;
	v16 =	vxor.u32 $0x80000000, v17  }
0x141: {  	v16 =	vnsel vm0, $0xFFFFFFFF, v16  }
0x142: {  	(xrf0) =	vmin.scan.msk.u32 $0xffff, v16;
	_ =	sdelay $0x5  }
0x143: {  	v16, _, _ =	vpop (xrf0)  }
0x144: {  	(v2sf) =	vpush v16, $0xF;
	_ =	sdelay $0xe  }
0x145: {  	p1 =	slt.s32 s17, $0x13F;
	s4 =	spop (v2sf)  }
0x146: {  	s21 =	sadd.s32 $0x1, s17;
	s17 =	simm.s32 @!p1 $0x13F;
	s4 =	sxor.u32 $0x80000000, s4  }
0x147: {  	v16 =	vmov s17;
	s4 =	ssub.s32 s4, s10;
	s10 =	sadd.s32 s13, s3  }
0x148: {  	p1 =	slt.s32 s10, s12  }
.Ltmp14:
0x149: {  	_ = 	snop;
	(pc) =	sbr.rel @p1 .LBB2_17-.Ltmp14, $3  }
0x14a: {  	_ =	sdelay $0x1  }
0x14b: {  	[tilespmem:v16+s6+$0x0] =	vst.idx.msk $0x1, v18;
	v18 =	vmov s13;
	v17 =	vmov s4  }
0x14c: {  	s17 =	smov.u32 s21;
	v18 =	vperm.xlane v20, v18;
	[tilespmem:v16+s24+$0x0] =	vst.idx.msk $0x1, v17;
	v16 =	vimm.f32 $-Inf;
	v17 =	vimm.s32 $0x0  }
.Ltmp15:
0x14d: {  	(pc) =	sbr.rel .LBB2_21-.Ltmp15, $4  }
0x14e: {  	_ = 	snop  }
0x14f: {  	s3 =	sadd.s32 s5, s19  }
0x150: {  	s2 =	sadd.s32 s3, s2  }
0x151: {  	v17 =	vimm.s32 $0x0;
	v16 =	vimm.f32 $-Inf;
	s17 =	smov.u32 s21;
	s10 =	sadd.s32 s14, s2;
	s2 =	simm.s32 $0x1  }
.LBB2_18:
0x152: {  	s2 =	simm.s32 $0x0  }
.LBB2_21:
0x153: {  	s3 =	sadd.s32 s18, s15  }
0x154: {  	p1 =	seq.s32 s3, $0x0  }
.Ltmp16:
0x155: {  	_ = 	snop;
	(pc) =	sbr.rel @!p1 .LBB2_13-.Ltmp16, $1  }
0x156: {  	_ =	sdelay $0x3  }
0x157: {  	p1 =	sne.s32 s2, $0x0  }
.Ltmp17:
0x158: {  	_ = 	snop;
	(pc) =	sbr.rel @p1 .LBB2_25-.Ltmp17, $1  }
0x159: {  	_ =	sdelay $0x3  }
.Ltmp18:
0x15a: {  	(pc) =	sbr.rel .LBB2_24-.Ltmp18, $3  }
0x15b: {  	_ =	sdelay $0x1  }
0x15c: {  	p1 =	slt.s32 s17, $0x13F  }
0x15d: {  	v14 =	vxor.u32 $0x80000000, v17;
	s2 =	simm.s32 $0x8B00;
	s17 =	simm.s32 @!p1 $0x13F  }
.LBB2_11:
0x15e: {  	s17 =	simm.s32 $0x0;
	v16 =	vimm.f32 $-Inf;
	v14 =	vimm.s32 $0x80000000;
	s10 =	simm.s32 $0x0;
	s2 =	simm.s32 $0x8B00  }
.LBB2_24:
0x15f: {  	(xrf0) =	vmax.scan.msk.f32 $0xffff, v16;
	_ =	sdelay $0x5  }
0x160: {  	v15, _, _ =	vpop (xrf0)  }
0x161: {  	v15 =	vbroadcast v15, $0xF;
	_ =	sdelay $0x1  }
0x162: {  	vm0 =	veq.f32 v16, v15  }
0x163: {  	v14 =	vnsel vm0, $0xFFFFFFFF, v14  }
0x164: {  	(xrf0) =	vmin.scan.msk.u32 $0xffff, v14;
	_ =	sdelay $0x5  }
0x165: {  	v14, _, _ =	vpop (xrf0)  }
0x166: {  	(v2sf) =	vpush v14, $0xF;
	_ =	sdelay $0xc  }
0x167: {  	v14 =	vmov s17;
	_ =	sdelay $0x1  }
0x168: {  	s1 =	spop (v2sf)  }
0x169: {  	s1 =	sxor.u32 $0x80000000, s1  }
0x16a: {  	s1 =	ssub.s32 s1, s10  }
0x16b: {  	[tilespmem:v14+s2+$0x0] =	vst.idx.msk $0x1, v15;
	v15 =	vmov s1  }
0x16c: {  	[tilespmem:v14+s24+$0x0] =	vst.idx.msk $0x1, v15  }
.LBB2_25:
.Ltmp19:
0x16d: {  	(pc) =	sbr.rel @p0 .LBB2_27-.Ltmp19, $1  }
0x16e: {  	_ =	sdelay $0x3  }
0x16f: {  	s1 =	rddreg [dreg:$0xb];
	s2 =	simm.s32 $0x8B00  }
0x170: {  	[hbm4b:s1+s7] =	stream.linear.scatter [tilespmem:s2], [sflag:$0x2], $0x140, $0x38;
	[tilespmem:$0x12E00] =	vst v63  }
0x171: {  	_ =	swait.ge [sflag:s22], $0x140  }
0x172: {  	[sflag:s22] =	ssyncset.done $0x0  }
0x173: {  	[sflag:s22] =	ssyncadd.s32 $0xFFFFFEC0  }
0x174: {  	s17 =	rddreg [dreg:$0x2]  }
0x175: {  	[tilespmem:s26], [sflag:$0x1] =	stream.indirect.gather [hbm4b:s17+s28], $0x80, s24, s28, $0xb8;
	[tilespmem:$0x12E00] =	vst v63  }
0x176: {  	s18 =	simm.s32 $0x8D00;
	s3 =	simm.s32 $0xCE00  }
0x177: {  	[tilespmem:s3], [sflag:$0x1] =	stream.indirect.gather [hbm4b:s17+s28], $0x80, s18, s28, $0xb8;
	[tilespmem:$0x12E00] =	vst v63  }
0x178: {  	s4 =	simm.s32 $0x40;
	s5 =	simm.s32 $0x8D80;
	s6 =	simm.s32 $0x10E00  }
0x179: {  	[tilespmem:s6], [sflag:$0x1] =	stream.indirect.gather [hbm4b:s17+s4], $0x80, s5, s4, $0xb8;
	[tilespmem:$0x12E00] =	vst v63  }
0x17a: {  	_ =	swait.ge [sflag:s20], $0x4000  }
0x17b: {  	[sflag:s20] =	ssyncset.done $0x0  }
0x17c: {  	[sflag:s20] =	ssyncadd.s32 $0xFFFFC000  }
0x17d: {  	_ =	swait.ge [sflag:s20], $0x4000  }
0x17e: {  	[sflag:s20] =	ssyncset.done $0x0  }
0x17f: {  	[sflag:s20] =	ssyncadd.s32 $0xFFFFC000  }
0x180: {  	_ =	swait.ge [sflag:s20], $0x2000  }
0x181: {  	[sflag:s20] =	ssyncset.done $0x0  }
0x182: {  	s19 =	rddreg [dreg:$0xc];
	[sflag:s20] =	ssyncadd.s32 $0xFFFFE000  }
0x183: {  	[hbm4b:s19+s7] =	stream.linear.scatter [tilespmem:s26], [sflag:$0x2], $0xA000, $0x38;
	[tilespmem:$0x12E00] =	vst v63  }
0x184: {  	_ =	swait.ge [sflag:s22], $0xA000  }
0x185: {  	[sflag:s22] =	ssyncset.done $0x0  }
0x186: {  	[sflag:s22] =	ssyncadd.s32 $0xFFFF6000  }
0x187: {  	s21 =	rddreg [dreg:$0x3]  }
0x188: {  	[tilespmem:s26], [sflag:$0x1] =	stream.indirect.gather [hbm4b:s21+s28], $0x80, s24, s28, $0xb8;
	[tilespmem:$0x12E00] =	vst v63  }
0x189: {  	_ = 	snop  }
0x18a: {  	[tilespmem:s3], [sflag:$0x1] =	stream.indirect.gather [hbm4b:s21+s28], $0x80, s18, s28, $0xb8;
	[tilespmem:$0x12E00] =	vst v63  }
0x18b: {  	_ = 	snop  }
0x18c: {  	[tilespmem:s6], [sflag:$0x1] =	stream.indirect.gather [hbm4b:s21+s4], $0x80, s5, s4, $0xb8;
	[tilespmem:$0x12E00] =	vst v63  }
0x18d: {  	_ =	swait.ge [sflag:s20], $0x4000  }
0x18e: {  	[sflag:s20] =	ssyncset.done $0x0  }
0x18f: {  	[sflag:s20] =	ssyncadd.s32 $0xFFFFC000  }
0x190: {  	_ =	swait.ge [sflag:s20], $0x4000  }
0x191: {  	[sflag:s20] =	ssyncset.done $0x0  }
0x192: {  	[sflag:s20] =	ssyncadd.s32 $0xFFFFC000  }
0x193: {  	_ =	swait.ge [sflag:s20], $0x2000  }
0x194: {  	[sflag:s20] =	ssyncset.done $0x0  }
0x195: {  	s23 =	rddreg [dreg:$0xd];
	[sflag:s20] =	ssyncadd.s32 $0xFFFFE000  }
0x196: {  	[hbm4b:s23+s7] =	stream.linear.scatter [tilespmem:s26], [sflag:$0x2], $0xA000, $0x38;
	[tilespmem:$0x12E00] =	vst v63  }
0x197: {  	_ =	swait.ge [sflag:s22], $0xA000  }
0x198: {  	[sflag:s22] =	ssyncset.done $0x0  }
0x199: {  	[sflag:s22] =	ssyncadd.s32 $0xFFFF6000  }
0x19a: {  	s25 =	rddreg [dreg:$0x4]  }
0x19b: {  	[tilespmem:s26], [sflag:$0x1] =	stream.indirect.gather [hbm4b:s25+s28], $0x80, s24, s28, $0xb8;
	[tilespmem:$0x12E00] =	vst v63  }
0x19c: {  	_ = 	snop  }
0x19d: {  	[tilespmem:s3], [sflag:$0x1] =	stream.indirect.gather [hbm4b:s25+s28], $0x80, s18, s28, $0xb8;
	[tilespmem:$0x12E00] =	vst v63  }
0x19e: {  	_ = 	snop  }
0x19f: {  	[tilespmem:s6], [sflag:$0x1] =	stream.indirect.gather [hbm4b:s25+s4], $0x80, s5, s4, $0xb8;
	[tilespmem:$0x12E00] =	vst v63  }
0x1a0: {  	_ =	swait.ge [sflag:s20], $0x4000  }
0x1a1: {  	[sflag:s20] =	ssyncset.done $0x0  }
0x1a2: {  	[sflag:s20] =	ssyncadd.s32 $0xFFFFC000  }
0x1a3: {  	_ =	swait.ge [sflag:s20], $0x4000  }
0x1a4: {  	[sflag:s20] =	ssyncset.done $0x0  }
0x1a5: {  	[sflag:s20] =	ssyncadd.s32 $0xFFFFC000  }
0x1a6: {  	_ =	swait.ge [sflag:s20], $0x2000  }
0x1a7: {  	[sflag:s20] =	ssyncset.done $0x0  }
0x1a8: {  	s29 =	rddreg [dreg:$0xe];
	[sflag:s20] =	ssyncadd.s32 $0xFFFFE000  }
0x1a9: {  	[hbm4b:s29+s7] =	stream.linear.scatter [tilespmem:s26], [sflag:$0x2], $0xA000, $0x38;
	[tilespmem:$0x12E00] =	vst v63  }
0x1aa: {  	_ =	swait.ge [sflag:s22], $0xA000  }
0x1ab: {  	[sflag:s22] =	ssyncset.done $0x0  }
0x1ac: {  	[sflag:s22] =	ssyncadd.s32 $0xFFFF6000  }
0x1ad: {  	s30 =	rddreg [dreg:$0x5]  }
0x1ae: {  	[tilespmem:s26], [sflag:$0x1] =	stream.indirect.gather [hbm4b:s30+s28], $0x80, s24, s28, $0xb8;
	[tilespmem:$0x12E00] =	vst v63  }
0x1af: {  	_ = 	snop  }
0x1b0: {  	[tilespmem:s3], [sflag:$0x1] =	stream.indirect.gather [hbm4b:s30+s28], $0x80, s18, s28, $0xb8;
	[tilespmem:$0x12E00] =	vst v63  }
0x1b1: {  	_ = 	snop  }
0x1b2: {  	[tilespmem:s6], [sflag:$0x1] =	stream.indirect.gather [hbm4b:s30+s4], $0x80, s5, s4, $0xb8;
	[tilespmem:$0x12E00] =	vst v63  }
0x1b3: {  	_ =	swait.ge [sflag:s20], $0x4000  }
0x1b4: {  	[sflag:s20] =	ssyncset.done $0x0  }
0x1b5: {  	[sflag:s20] =	ssyncadd.s32 $0xFFFFC000  }
0x1b6: {  	_ =	swait.ge [sflag:s20], $0x4000  }
0x1b7: {  	[sflag:s20] =	ssyncset.done $0x0  }
0x1b8: {  	[sflag:s20] =	ssyncadd.s32 $0xFFFFC000  }
0x1b9: {  	_ =	swait.ge [sflag:s20], $0x2000  }
0x1ba: {  	[sflag:s20] =	ssyncset.done $0x0  }
.Ltmp20:
0x1bb: {  	s31 =	rddreg [dreg:$0xf];
	[sflag:s20] =	ssyncadd.s32 $0xFFFFE000;
	(pc) =	sbr.rel .LBB2_28-.Ltmp20, $4  }
0x1bc: {  	[hbm4b:s31+s7] =	stream.linear.scatter [tilespmem:s26], [sflag:$0x2], $0xA000, $0x38;
	[tilespmem:$0x12E00] =	vst v63  }
0x1bd: {  	_ =	swait.ge [sflag:s22], $0xA000  }
0x1be: {  	[sflag:s22] =	ssyncset.done $0x0  }
0x1bf: {  	s4 =	simm.s32 $0x100;
	[sflag:s22] =	ssyncadd.s32 $0xFFFF6000  }
.LBB2_29:
0x1c0: {  	_ =	sfence.sel $0x180000  }
0x1c1: {  	[bflag:$0x0] =	sbarrier.arrive $0xFFFF  }
0x1c2: {  	_ =	strace $0x90000047  }
0x1c3: {  	s0 =	stileid.u32;
	[bflag:$0x2] =	sbarrier.arrive $0xFFFF  }
0x1c4: {  	p0 =	sne.s32 s0, $0x0;
	s0 =	rddreg [dreg:$0xa]  }
0x1c5: {  	s0 =	sadd.s32 @!p0 $0x100000, s0  }
0x1c6: {  	[sflag:s0] =	ssyncadd.tile.s32 @!p0 $0x1;
	_ =	shalt  }
.Lfunc_end2:
_tile_overlayer_lowered:
.L_overlay_start_2:
0x1c7: {  	(tag) =	ssettag $0x2  }
0x1c8: {  	s0 =	rddreg [dreg:$0x0];
	s2 =	stileid.u32  }
0x1c9: {  	s1 =	rddreg [dreg:$0x1];
	p0 =	sne.s32 s2, $0x0  }
0x1ca: {  	s3 =	rddreg [dreg:$0x2];
	[bflag:$0x3] =	sbarrier.arrive $0xFFFF;
	s2 =	simm.s32 @!p0 $0x1C02  }
0x1cb: {  	[timem:s3], [sflag:s2] =	dma.local @!p0 [hbm:s0], s1  }
0x1cc: {  	s0 =	simm.s32 @!p0 $0x2  }
0x1cd: {  	_ =	swait.ge @!p0 [sflag:s0], s1  }
0x1ce: {  	s1 =	ssub.s32 @!p0 $0x0, s1;
	[sflag:s0] =	ssyncset.done @!p0 $0x0  }
0x1cf: {  	[sflag:s0] =	ssyncadd.s32 @!p0 s1  }
0x1d0: {  	[bflag:$0x3] =	sbarrier.arrive $0xFFFF  }
0x1d1: {  	_ =	shalt  }

</sc_bundles>
